<compile_context>
chip_gen: v7x
topology: tpu7x:2x2x1
jax: 0.10.2.dev20260603
libtpu: 0.0.44.dev20260713+nightly
codegen_flags: <defaults>
</compile_context>

<pallas_src>
import jax
import jax.numpy as jnp
from jax import lax
from jax.experimental import pallas as pl
from jax.experimental.pallas import tpu as pltpu
from jax.experimental.pallas import tpu_sc as plsc

NC, NS = 2, 16
NW = NC * NS
BB = 128
DIM = 64


def _sc_body(idx4_hbm, tok_hbm, pos_hbm, out_hbm,
             idx_v, rows0, rows1, tb0, tb1, pos_v,
             gsem0, gsem1, osem0, osem1):
    seq = idx4_hbm.shape[0] * idx4_hbm.shape[2]
    wid = lax.axis_index("s") * NC + lax.axis_index("c")
    b0 = wid * BB

    rows = (rows0, rows1)
    tbs = (tb0, tb1)
    gsems = (gsem0, gsem1)
    osems = (osem0, osem1)

    pltpu.sync_copy(pos_hbm, pos_v)
    pltpu.sync_copy(idx4_hbm.at[:, pl.ds(wid, 1)], idx_v)

    def fire_gather(s, b):
        pltpu.async_copy(tok_hbm.at[idx_v.at[s // 8, 0, s % 8]], rows[b], gsems[b])

    def drain_gather(b):
        pltpu.make_async_copy(tok_hbm.at[pl.ds(0, BB)], rows[b], gsems[b]).wait()

    def fire_out(s, b):
        pltpu.async_copy(tbs[b], out_hbm.at[wid, :, s], osems[b])

    def drain_out(b):
        pltpu.make_async_copy(tbs[b], out_hbm.at[0, :, 0], osems[b]).wait()

    def compute(s, b):
        rb, tb = rows[b], tbs[b]
        p = [pos_v[s, pl.ds(16 * u, 16)] for u in range(DIM // 16)]

        @plsc.parallel_loop(0, BB, 1, unroll=4)
        def _(r):
            for u in range(DIM // 16):
                sl = pl.ds(16 * u, 16)
                tb[r, sl] = rb[r, sl] * 8.0 + p[u]

    fire_gather(0, 0)
    fire_gather(1, 1)

    def step(s, b):
        @pl.when(s >= 2)
        def _():
            drain_out(b)

        drain_gather(b)
        compute(s, b)
        fire_out(s, b)

        @pl.when(s + 2 < seq)
        def _():
            fire_gather(s + 2, b)

    def pair(t, _):
        step(2 * t, 0)
        step(2 * t + 1, 1)
        return _

    lax.fori_loop(0, seq // 2, pair, 0)
    drain_out(0)
    drain_out(1)


def _tc_transpose(x_ref, o_ref):
    for si in range(8):
        xs = x_ref[0, :, si, :]
        y = jnp.transpose(xs, (1, 0))
        o_ref[si, :, 0, :, :] = y.reshape(8, 8, BB)


def kernel(inputs, token_table, position_table):
    batch, seq = inputs.shape
    vocab, dim = token_table.shape
    idx4 = (
        inputs.astype(jnp.int32)
        .reshape(batch // BB, BB, seq // 8, 8)
        .transpose(2, 0, 3, 1)
    )

    mesh = plsc.VectorSubcoreMesh(
        core_axis_name="c", subcore_axis_name="s", num_cores=NC, num_subcores=NS
    )
    sc_call = pl.kernel(
        _sc_body,
        out_type=jax.ShapeDtypeStruct((batch // BB, BB, seq, dim), jnp.float32),
        name="emb_gather",
        mesh=mesh,
        scratch_types=[
            pltpu.VMEM((seq // 8, 1, 8, BB), jnp.int32),
            pltpu.VMEM((BB, dim), jnp.float32),
            pltpu.VMEM((BB, dim), jnp.float32),
            pltpu.VMEM((BB, dim), jnp.float32),
            pltpu.VMEM((BB, dim), jnp.float32),
            pltpu.VMEM((seq, dim), jnp.float32),
            pltpu.SemaphoreType.DMA,
            pltpu.SemaphoreType.DMA,
            pltpu.SemaphoreType.DMA,
            pltpu.SemaphoreType.DMA,
        ],
        compiler_params=pltpu.CompilerParams(
            use_tc_tiling_on_sc=False, needs_layout_passes=False
        ),
    )
    mid = sc_call(idx4, token_table, position_table)

    tc_call = pl.pallas_call(
        _tc_transpose,
        grid=(seq // 8, batch // BB),
        in_specs=[pl.BlockSpec((1, BB, 8, dim), lambda si, t: (t, 0, si, 0))],
        out_specs=pl.BlockSpec(
            (8, dim // 8, 1, 8, BB), lambda si, t: (si, 0, t, 0, 0)
        ),
        out_shape=jax.ShapeDtypeStruct((seq, dim // 8, batch // BB, 8, BB), jnp.float32),
    )
    a = tc_call(mid)
    return a.transpose(2, 4, 0, 1, 3).reshape(batch, seq, dim)

# --- scband reference (transcript-rebuilt; emitter-appended) ---
"""Pipeline reference for scband-postional-embedding-16965120819591 (READ-ONLY COPY).

The authoritative reference and input builder live on the scoring server;
editing this copy changes nothing except your own understanding.
"""

import jax, jax.numpy as jnp
import numpy as np

SEQUENCE_LENGTH = 200
VOCAB_SIZE = 1000000
EMBED_DIM = 64
BATCH = 4096


def setup_inputs(seed: int = 0) -> dict:
    key = jax.random.key(seed)
    k_idx, k_tok, k_pos = jax.random.split(key, 3)
    inputs = jax.random.randint(k_idx, (BATCH, SEQUENCE_LENGTH), 0, VOCAB_SIZE, dtype=jnp.int64 if jax.config.jax_enable_x64 else jnp.int32)
    token_table = jax.random.normal(k_tok, (VOCAB_SIZE, EMBED_DIM), dtype=jnp.float32) * 0.05
    position_table = jax.random.normal(k_pos, (SEQUENCE_LENGTH, EMBED_DIM), dtype=jnp.float32) * 0.05
    return {"inputs": inputs, "token_table": token_table, "position_table": position_table}


def reference(inputs, token_table, position_table):
    length = inputs.shape[-1]
    positions = jnp.arange(0, length)
    embed_scale = jnp.sqrt(jnp.asarray(EMBED_DIM, dtype=jnp.float32))
    embedded_tokens = jnp.take(token_table, inputs, axis=0)
    embedded_tokens = embedded_tokens * embed_scale
    embedded_positions = jnp.take(position_table, positions, axis=0)
    return embedded_tokens + embedded_positions

if __name__ == "__main__":
    import jax
    _d = setup_inputs()
    print(jax.jit(kernel)(*tuple(_d.values())))

</pallas_src>

<mosaic_0001>
#map = affine_map<(d0, d1) -> (0, 0, 0, 0)>
#map1 = affine_map<(d0, d1) -> (0, 0)>
module attributes {stable_mosaic.version = 14 : i64} {
  func.func @emb_gather(%arg0: i32, %arg1: i32, %arg2: memref<25x32x8x128xi32, #tpu.memory_space<hbm>>, %arg3: memref<1000000x64xf32, #tpu.memory_space<hbm>>, %arg4: memref<200x64xf32, #tpu.memory_space<hbm>>, %arg5: memref<32x128x200x64xf32, #tpu.memory_space<hbm>>, %arg6: memref<25x1x8x128xi32, #tpu.memory_space<vmem>>, %arg7: memref<128x64xf32, #tpu.memory_space<vmem>>, %arg8: memref<128x64xf32, #tpu.memory_space<vmem>>, %arg9: memref<128x64xf32, #tpu.memory_space<vmem>>, %arg10: memref<128x64xf32, #tpu.memory_space<vmem>>, %arg11: memref<200x64xf32, #tpu.memory_space<vmem>>, %arg12: memref<!tpu.dma_semaphore, #tpu.memory_space<semaphore_mem>>, %arg13: memref<!tpu.dma_semaphore, #tpu.memory_space<semaphore_mem>>, %arg14: memref<!tpu.dma_semaphore, #tpu.memory_space<semaphore_mem>>, %arg15: memref<!tpu.dma_semaphore, #tpu.memory_space<semaphore_mem>>) attributes {dimension_semantics = [#tpu.dimension_semantics<core_parallel>, #tpu.dimension_semantics<subcore_parallel>], iteration_bounds = array<i64: 2, 16>, scalar_prefetch = 0 : i64, scratch_operands = 10 : i64, tpu.core_type = #tpu.core_type<sc_vector_subcore>, window_params = [{transform_indices = #map}, {transform_indices = #map1}, {transform_indices = #map1}, {transform_indices = #map}]} {
    %mul3A = arith.constant 2 : i32
    %mul3A_0 = arith.muli %arg1, %mul3A : i32
    %add3A = arith.addi %mul3A_0, %arg0 : i32
    %mul3A_1 = arith.constant 128 : i32
    %mul3A_2 = arith.muli %add3A, %mul3A_1 : i32
    "tpu.region"() ({
      %run_scoped3A = tpu.sem_alloc : memref<!tpu.dma_semaphore, #tpu.memory_space<semaphore_mem>>
      tpu.enqueue_dma source(%arg4 : memref<200x64xf32, #tpu.memory_space<hbm>>) target(%arg11 : memref<200x64xf32, #tpu.memory_space<vmem>>) target_semaphore(%run_scoped3A : memref<!tpu.dma_semaphore, #tpu.memory_space<semaphore_mem>>)
      tpu.wait_dma2 semaphore(%run_scoped3A : memref<!tpu.dma_semaphore, #tpu.memory_space<semaphore_mem>>) src(%arg4 : memref<200x64xf32, #tpu.memory_space<hbm>>) dst(%arg11 : memref<200x64xf32, #tpu.memory_space<vmem>>)
      tpu.yield
    }) : () -> ()
    "tpu.region"() ({
      %run_scoped3A = tpu.sem_alloc : memref<!tpu.dma_semaphore, #tpu.memory_space<semaphore_mem>>
      %dma_start3A_44 = arith.constant 0 : i32
      %dma_start3A_45 = arith.constant 0 : i32
      %dma_start3A_46 = arith.constant 0 : i32
      %dma_start3A_47 = tpu.memref_slice %arg2[%dma_start3A_44, %add3A, %dma_start3A_45, %dma_start3A_46] : memref<25x32x8x128xi32, #tpu.memory_space<hbm>> -> memref<25x1x8x128xi32, #tpu.memory_space<hbm>>
      %dma_start3A_48 = arith.constant 0 : i32
      %dma_start3A_49 = arith.constant 0 : i32
      %dma_start3A_50 = arith.constant 0 : i32
      %dma_start3A_51 = tpu.memref_slice %arg2[%dma_start3A_48, %add3A, %dma_start3A_49, %dma_start3A_50] : memref<25x32x8x128xi32, #tpu.memory_space<hbm>> -> memref<25x1x8x128xi32, #tpu.memory_space<hbm>>
      tpu.enqueue_dma source(%dma_start3A_51 : memref<25x1x8x128xi32, #tpu.memory_space<hbm>>) target(%arg6 : memref<25x1x8x128xi32, #tpu.memory_space<vmem>>) target_semaphore(%run_scoped3A : memref<!tpu.dma_semaphore, #tpu.memory_space<semaphore_mem>>)
      %dma_wait3A_52 = arith.constant 0 : i32
      %dma_wait3A_53 = arith.constant 0 : i32
      %dma_wait3A_54 = arith.constant 0 : i32
      %dma_wait3A_55 = tpu.memref_slice %arg2[%dma_wait3A_52, %add3A, %dma_wait3A_53, %dma_wait3A_54] : memref<25x32x8x128xi32, #tpu.memory_space<hbm>> -> memref<25x1x8x128xi32, #tpu.memory_space<hbm>>
      %dma_wait3A_56 = arith.constant 0 : i32
      %dma_wait3A_57 = arith.constant 0 : i32
      %dma_wait3A_58 = arith.constant 0 : i32
      %dma_wait3A_59 = tpu.memref_slice %arg2[%dma_wait3A_56, %add3A, %dma_wait3A_57, %dma_wait3A_58] : memref<25x32x8x128xi32, #tpu.memory_space<hbm>> -> memref<25x1x8x128xi32, #tpu.memory_space<hbm>>
      tpu.wait_dma2 semaphore(%run_scoped3A : memref<!tpu.dma_semaphore, #tpu.memory_space<semaphore_mem>>) src(%dma_wait3A_59 : memref<25x1x8x128xi32, #tpu.memory_space<hbm>>) dst(%arg6 : memref<25x1x8x128xi32, #tpu.memory_space<vmem>>)
      tpu.yield
    }) : () -> ()
    %dma_start3A = arith.constant 0 : i32
    %dma_start3A_3 = arith.constant 0 : i32
    %dma_start3A_4 = arith.constant 0 : i32
    %dma_start3A_5 = arith.constant 0 : i32
    %dma_start3A_6 = tpu.memref_slice %arg6[%dma_start3A, %dma_start3A_3, %dma_start3A_4, %dma_start3A_5] : memref<25x1x8x128xi32, #tpu.memory_space<vmem>> -> memref<1x1x1x128xi32, #tpu.memory_space<vmem>>
    %dma_start3A_7 = tpu.memref_squeeze %dma_start3A_6 : memref<1x1x1x128xi32, #tpu.memory_space<vmem>> -> memref<128xi32, #tpu.memory_space<vmem>>
    %dma_start3A_8 = arith.constant 0 : i32
    %dma_start3A_9 = arith.constant 0 : i32
    %dma_start3A_10 = tpu.memref_slice %arg3[%dma_start3A_8, %dma_start3A_9] : memref<1000000x64xf32, #tpu.memory_space<hbm>> -> memref<1000000x64xf32, #tpu.memory_space<hbm>>
    tpu.enqueue_indirect_dma source(%dma_start3A_10 : memref<1000000x64xf32, #tpu.memory_space<hbm>>) target(%arg7 : memref<128x64xf32, #tpu.memory_space<vmem>>) offsets(%dma_start3A_7 : memref<128xi32, #tpu.memory_space<vmem>>) semaphore(%arg12 : memref<!tpu.dma_semaphore, #tpu.memory_space<semaphore_mem>>)
    %dma_start3A_11 = arith.constant 0 : i32
    %dma_start3A_12 = arith.constant 0 : i32
    %dma_start3A_13 = arith.constant 1 : i32
    %dma_start3A_14 = arith.constant 0 : i32
    %dma_start3A_15 = tpu.memref_slice %arg6[%dma_start3A_11, %dma_start3A_12, %dma_start3A_13, %dma_start3A_14] : memref<25x1x8x128xi32, #tpu.memory_space<vmem>> -> memref<1x1x1x128xi32, #tpu.memory_space<vmem>>
    %dma_start3A_16 = tpu.memref_squeeze %dma_start3A_15 : memref<1x1x1x128xi32, #tpu.memory_space<vmem>> -> memref<128xi32, #tpu.memory_space<vmem>>
    %dma_start3A_17 = arith.constant 0 : i32
    %dma_start3A_18 = arith.constant 0 : i32
    %dma_start3A_19 = tpu.memref_slice %arg3[%dma_start3A_17, %dma_start3A_18] : memref<1000000x64xf32, #tpu.memory_space<hbm>> -> memref<1000000x64xf32, #tpu.memory_space<hbm>>
    tpu.enqueue_indirect_dma source(%dma_start3A_19 : memref<1000000x64xf32, #tpu.memory_space<hbm>>) target(%arg8 : memref<128x64xf32, #tpu.memory_space<vmem>>) offsets(%dma_start3A_16 : memref<128xi32, #tpu.memory_space<vmem>>) semaphore(%arg13 : memref<!tpu.dma_semaphore, #tpu.memory_space<semaphore_mem>>)
    %scan3A = arith.constant 0 : i32
    %scan3A_20 = arith.constant 0 : i32
    %scan3A_21 = arith.constant 100 : i32
    %scan3A_22 = arith.addi %scan3A_20, %scan3A_21 : i32
    %scan3A_23 = arith.constant 1 : i32
    scf.for %scan3A_44 = %scan3A_20 to %scan3A_22 step %scan3A_23  : i32 {
      %mul3A_45 = arith.constant 2 : i32
      %mul3A_46 = arith.muli %mul3A_45, %scan3A_44 : i32
      %ge3A = arith.constant 2 : i32
      %ge3A_47 = arith.cmpi sge, %mul3A_46, %ge3A : i32
      %convert_element_type3A = arith.extui %ge3A_47 : i1 to i32
      %cond3A = arith.constant 0 : i32
      %cond3A_48 = arith.cmpi ne, %convert_element_type3A, %cond3A : i32
      scf.if %cond3A_48 {
        %dma_wait3A_127 = arith.constant 0 : i32
        %dma_wait3A_128 = arith.constant 0 : i32
        %dma_wait3A_129 = arith.constant 0 : i32
        %dma_wait3A_130 = arith.constant 0 : i32
        %dma_wait3A_131 = tpu.memref_slice %arg5[%dma_wait3A_127, %dma_wait3A_129, %dma_wait3A_128, %dma_wait3A_130] : memref<32x128x200x64xf32, #tpu.memory_space<hbm>> -> memref<1x128x1x64xf32, #tpu.memory_space<hbm>>
        %dma_wait3A_132 = tpu.memref_squeeze %dma_wait3A_131 : memref<1x128x1x64xf32, #tpu.memory_space<hbm>> -> memref<128x64xf32, #tpu.memory_space<hbm>>
        %dma_wait3A_133 = arith.constant 0 : i32
        %dma_wait3A_134 = arith.constant 0 : i32
        %dma_wait3A_135 = tpu.memref_slice %arg5[%dma_wait3A_127, %dma_wait3A_133, %dma_wait3A_128, %dma_wait3A_134] : memref<32x128x200x64xf32, #tpu.memory_space<hbm>> -> memref<1x128x1x64xf32, #tpu.memory_space<hbm>>
        %dma_wait3A_136 = tpu.memref_squeeze %dma_wait3A_135 : memref<1x128x1x64xf32, #tpu.memory_space<hbm>> -> memref<128x64xf32, #tpu.memory_space<hbm>>
        tpu.wait_dma2 semaphore(%arg14 : memref<!tpu.dma_semaphore, #tpu.memory_space<semaphore_mem>>) src(%arg9 : memref<128x64xf32, #tpu.memory_space<vmem>>) dst(%dma_wait3A_136 : memref<128x64xf32, #tpu.memory_space<hbm>>)
      } else {
      }
      %dma_wait3A_49 = arith.constant 0 : i32
      %dma_wait3A_50 = arith.constant 0 : i32
      %dma_wait3A_51 = tpu.memref_slice %arg3[%dma_wait3A_49, %dma_wait3A_50] : memref<1000000x64xf32, #tpu.memory_space<hbm>> -> memref<128x64xf32, #tpu.memory_space<hbm>>
      %dma_wait3A_52 = arith.constant 0 : i32
      %dma_wait3A_53 = arith.constant 0 : i32
      %dma_wait3A_54 = tpu.memref_slice %arg3[%dma_wait3A_52, %dma_wait3A_53] : memref<1000000x64xf32, #tpu.memory_space<hbm>> -> memref<128x64xf32, #tpu.memory_space<hbm>>
      tpu.wait_dma2 semaphore(%arg12 : memref<!tpu.dma_semaphore, #tpu.memory_space<semaphore_mem>>) src(%dma_wait3A_54 : memref<128x64xf32, #tpu.memory_space<hbm>>) dst(%arg7 : memref<128x64xf32, #tpu.memory_space<vmem>>)
      %get3A = arith.index_cast %mul3A_46 : i32 to index
      %get3A_55 = arith.constant 0 : index
      %get3A_56 = tpu.vector_load %arg11[%get3A, %get3A_55] {strides = array<i32>} : memref<200x64xf32, #tpu.memory_space<vmem>>, vector<16xf32>,
      %get3A_57 = arith.index_cast %mul3A_46 : i32 to index
      %get3A_58 = arith.constant 16 : index
      %get3A_59 = tpu.vector_load %arg11[%get3A_57, %get3A_58] {strides = array<i32>} : memref<200x64xf32, #tpu.memory_space<vmem>>, vector<16xf32>,
      %get3A_60 = arith.index_cast %mul3A_46 : i32 to index
      %get3A_61 = arith.constant 32 : index
      %get3A_62 = tpu.vector_load %arg11[%get3A_60, %get3A_61] {strides = array<i32>} : memref<200x64xf32, #tpu.memory_space<vmem>>, vector<16xf32>,
      %get3A_63 = arith.index_cast %mul3A_46 : i32 to index
      %get3A_64 = arith.constant 48 : index
      %get3A_65 = tpu.vector_load %arg11[%get3A_63, %get3A_64] {strides = array<i32>} : memref<200x64xf32, #tpu.memory_space<vmem>>, vector<16xf32>,
      %parallel_loop3A = arith.constant 0 : i32
      %parallel_loop3A_66 = arith.constant 128 : i32
      %parallel_loop3A_67 = arith.constant 1 : i32
      scf.for %parallel_loop3A_127 = %parallel_loop3A to %parallel_loop3A_66 step %parallel_loop3A_67  : i32 {
        %parallel_loop3A_128 = arith.index_cast %parallel_loop3A_127 : i32 to index
        %parallel_loop3A_129 = arith.constant 0 : index
        %parallel_loop3A_130 = tpu.vector_load %arg7[%parallel_loop3A_128, %parallel_loop3A_129] {strides = array<i32>} : memref<128x64xf32, #tpu.memory_space<vmem>>, vector<16xf32>,
        %parallel_loop3A_131 = arith.constant 8.000000e+00 : f32
        %parallel_loop3A_132 = vector.broadcast %parallel_loop3A_131 : f32 to vector<16xf32>
        %parallel_loop3A_133 = arith.mulf %parallel_loop3A_130, %parallel_loop3A_132 : vector<16xf32>
        %parallel_loop3A_134 = arith.addf %parallel_loop3A_133, %get3A_56 : vector<16xf32>
        %parallel_loop3A_135 = arith.index_cast %parallel_loop3A_127 : i32 to index
        %parallel_loop3A_136 = arith.constant 0 : index
        %parallel_loop3A_137 = tpu.vector_load %arg9[%parallel_loop3A_135, %parallel_loop3A_136] {strides = array<i32>} : memref<128x64xf32, #tpu.memory_space<vmem>>, vector<16xf32>,
        tpu.vector_store %arg9[%parallel_loop3A_135, %parallel_loop3A_136], %parallel_loop3A_134 {strides = array<i32>} : memref<128x64xf32, #tpu.memory_space<vmem>>, vector<16xf32>,
        %parallel_loop3A_138 = arith.index_cast %parallel_loop3A_127 : i32 to index
        %parallel_loop3A_139 = arith.constant 16 : index
        %parallel_loop3A_140 = tpu.vector_load %arg7[%parallel_loop3A_138, %parallel_loop3A_139] {strides = array<i32>} : memref<128x64xf32, #tpu.memory_space<vmem>>, vector<16xf32>,
        %parallel_loop3A_141 = arith.constant 8.000000e+00 : f32
        %parallel_loop3A_142 = vector.broadcast %parallel_loop3A_141 : f32 to vector<16xf32>
        %parallel_loop3A_143 = arith.mulf %parallel_loop3A_140, %parallel_loop3A_142 : vector<16xf32>
        %parallel_loop3A_144 = arith.addf %parallel_loop3A_143, %get3A_59 : vector<16xf32>
        %parallel_loop3A_145 = arith.index_cast %parallel_loop3A_127 : i32 to index
        %parallel_loop3A_146 = arith.constant 16 : index
        %parallel_loop3A_147 = tpu.vector_load %arg9[%parallel_loop3A_145, %parallel_loop3A_146] {strides = array<i32>} : memref<128x64xf32, #tpu.memory_space<vmem>>, vector<16xf32>,
        tpu.vector_store %arg9[%parallel_loop3A_145, %parallel_loop3A_146], %parallel_loop3A_144 {strides = array<i32>} : memref<128x64xf32, #tpu.memory_space<vmem>>, vector<16xf32>,
        %parallel_loop3A_148 = arith.index_cast %parallel_loop3A_127 : i32 to index
        %parallel_loop3A_149 = arith.constant 32 : index
        %parallel_loop3A_150 = tpu.vector_load %arg7[%parallel_loop3A_148, %parallel_loop3A_149] {strides = array<i32>} : memref<128x64xf32, #tpu.memory_space<vmem>>, vector<16xf32>,
        %parallel_loop3A_151 = arith.constant 8.000000e+00 : f32
        %parallel_loop3A_152 = vector.broadcast %parallel_loop3A_151 : f32 to vector<16xf32>
        %parallel_loop3A_153 = arith.mulf %parallel_loop3A_150, %parallel_loop3A_152 : vector<16xf32>
        %parallel_loop3A_154 = arith.addf %parallel_loop3A_153, %get3A_62 : vector<16xf32>
        %parallel_loop3A_155 = arith.index_cast %parallel_loop3A_127 : i32 to index
        %parallel_loop3A_156 = arith.constant 32 : index
        %parallel_loop3A_157 = tpu.vector_load %arg9[%parallel_loop3A_155, %parallel_loop3A_156] {strides = array<i32>} : memref<128x64xf32, #tpu.memory_space<vmem>>, vector<16xf32>,
        tpu.vector_store %arg9[%parallel_loop3A_155, %parallel_loop3A_156], %parallel_loop3A_154 {strides = array<i32>} : memref<128x64xf32, #tpu.memory_space<vmem>>, vector<16xf32>,
        %parallel_loop3A_158 = arith.index_cast %parallel_loop3A_127 : i32 to index
        %parallel_loop3A_159 = arith.constant 48 : index
        %parallel_loop3A_160 = tpu.vector_load %arg7[%parallel_loop3A_158, %parallel_loop3A_159] {strides = array<i32>} : memref<128x64xf32, #tpu.memory_space<vmem>>, vector<16xf32>,
        %parallel_loop3A_161 = arith.constant 8.000000e+00 : f32
        %parallel_loop3A_162 = vector.broadcast %parallel_loop3A_161 : f32 to vector<16xf32>
        %parallel_loop3A_163 = arith.mulf %parallel_loop3A_160, %parallel_loop3A_162 : vector<16xf32>
        %parallel_loop3A_164 = arith.addf %parallel_loop3A_163, %get3A_65 : vector<16xf32>
        %parallel_loop3A_165 = arith.index_cast %parallel_loop3A_127 : i32 to index
        %parallel_loop3A_166 = arith.constant 48 : index
        %parallel_loop3A_167 = tpu.vector_load %arg9[%parallel_loop3A_165, %parallel_loop3A_166] {strides = array<i32>} : memref<128x64xf32, #tpu.memory_space<vmem>>, vector<16xf32>,
        tpu.vector_store %arg9[%parallel_loop3A_165, %parallel_loop3A_166], %parallel_loop3A_164 {strides = array<i32>} : memref<128x64xf32, #tpu.memory_space<vmem>>, vector<16xf32>,
      } {sc.loop_unroll_factor = 4 : i64, sc.parallel_access}
      %dma_start3A_68 = arith.constant 0 : i32
      %dma_start3A_69 = arith.constant 0 : i32
      %dma_start3A_70 = tpu.memref_slice %arg5[%add3A, %dma_start3A_68, %mul3A_46, %dma_start3A_69] : memref<32x128x200x64xf32, #tpu.memory_space<hbm>> -> memref<1x128x1x64xf32, #tpu.memory_space<hbm>>
      %dma_start3A_71 = tpu.memref_squeeze %dma_start3A_70 : memref<1x128x1x64xf32, #tpu.memory_space<hbm>> -> memref<128x64xf32, #tpu.memory_space<hbm>>
      %dma_start3A_72 = arith.constant 0 : i32
      %dma_start3A_73 = arith.constant 0 : i32
      %dma_start3A_74 = tpu.memref_slice %arg5[%add3A, %dma_start3A_72, %mul3A_46, %dma_start3A_73] : memref<32x128x200x64xf32, #tpu.memory_space<hbm>> -> memref<1x128x1x64xf32, #tpu.memory_space<hbm>>
      %dma_start3A_75 = tpu.memref_squeeze %dma_start3A_74 : memref<1x128x1x64xf32, #tpu.memory_space<hbm>> -> memref<128x64xf32, #tpu.memory_space<hbm>>
      tpu.enqueue_dma source(%arg9 : memref<128x64xf32, #tpu.memory_space<vmem>>) target(%dma_start3A_75 : memref<128x64xf32, #tpu.memory_space<hbm>>) target_semaphore(%arg14 : memref<!tpu.dma_semaphore, #tpu.memory_space<semaphore_mem>>)
      %add3A_76 = arith.constant 2 : i32
      %add3A_77 = arith.addi %mul3A_46, %add3A_76 : i32
      %lt3A = arith.constant 200 : i32
      %lt3A_78 = arith.cmpi slt, %add3A_77, %lt3A : i32
      %convert_element_type3A_79 = arith.extui %lt3A_78 : i1 to i32
      %cond3A_80 = arith.constant 0 : i32
      %cond3A_81 = arith.cmpi ne, %convert_element_type3A_79, %cond3A_80 : i32
      scf.if %cond3A_81 {
        %add3A_127 = arith.constant 2 : i32
        %add3A_128 = arith.addi %mul3A_46, %add3A_127 : i32
        %jit3A = arith.constant 8 : i32
        %div3A = arith.divsi %add3A_128, %jit3A : i32
        %sign3A = arith.constant 0 : i32
        %sign3A_129 = arith.cmpi sgt, %add3A_128, %sign3A : i32
        %sign3A_130 = arith.extui %sign3A_129 : i1 to i32
        %sign3A_131 = arith.constant 0 : i32
        %sign3A_132 = arith.cmpi slt, %add3A_128, %sign3A_131 : i32
        %sign3A_133 = arith.extui %sign3A_132 : i1 to i32
        %sign3A_134 = arith.subi %sign3A_130, %sign3A_133 : i32
        %sign3A_135 = arith.constant 0 : i32
        %sign3A_136 = arith.cmpi sgt, %jit3A, %sign3A_135 : i32
        %sign3A_137 = arith.extui %sign3A_136 : i1 to i32
        %sign3A_138 = arith.constant 0 : i32
        %sign3A_139 = arith.cmpi slt, %jit3A, %sign3A_138 : i32
        %sign3A_140 = arith.extui %sign3A_139 : i1 to i32
        %sign3A_141 = arith.subi %sign3A_137, %sign3A_140 : i32
        %ne3A = arith.cmpi ne, %sign3A_134, %sign3A_141 : i32
        %rem3A = arith.remsi %add3A_128, %jit3A : i32
        %ne3A_142 = arith.constant 0 : i32
        %ne3A_143 = arith.cmpi ne, %rem3A, %ne3A_142 : i32
        %and3A = arith.andi %ne3A, %ne3A_143 : i1
        %sub3A = arith.constant 1 : i32
        %sub3A_144 = arith.subi %div3A, %sub3A : i32
        %select_n3A = arith.select %and3A, %sub3A_144, %div3A : i32
        %jit3A_145 = arith.constant 8 : i32
        %eq3A = arith.constant 0 : i32
        %eq3A_146 = arith.cmpi eq, %jit3A_145, %eq3A : i32
        %jit3A_147 = arith.constant 1 : i32
        %select_n3A_148 = arith.select %eq3A_146, %jit3A_147, %jit3A_145 : i32
        %rem3A_149 = arith.remsi %add3A_128, %select_n3A_148 : i32
        %ne3A_150 = arith.constant 0 : i32
        %ne3A_151 = arith.cmpi ne, %rem3A_149, %ne3A_150 : i32
        %lt3A_152 = arith.constant 0 : i32
        %lt3A_153 = arith.cmpi slt, %rem3A_149, %lt3A_152 : i32
        %lt3A_154 = arith.constant 0 : i32
        %lt3A_155 = arith.cmpi slt, %select_n3A_148, %lt3A_154 : i32
        %ne3A_156 = arith.xori %lt3A_153, %lt3A_155 : i1
        %and3A_157 = arith.andi %ne3A_156, %ne3A_151 : i1
        %add3A_158 = arith.addi %rem3A_149, %select_n3A_148 : i32
        %select_n3A_159 = arith.select %and3A_157, %add3A_158, %rem3A_149 : i32
        %dma_start3A_160 = arith.constant 0 : i32
        %dma_start3A_161 = arith.constant 0 : i32
        %dma_start3A_162 = tpu.memref_slice %arg6[%select_n3A, %dma_start3A_160, %select_n3A_159, %dma_start3A_161] : memref<25x1x8x128xi32, #tpu.memory_space<vmem>> -> memref<1x1x1x128xi32, #tpu.memory_space<vmem>>
        %dma_start3A_163 = tpu.memref_squeeze %dma_start3A_162 : memref<1x1x1x128xi32, #tpu.memory_space<vmem>> -> memref<128xi32, #tpu.memory_space<vmem>>
        %dma_start3A_164 = arith.constant 0 : i32
        %dma_start3A_165 = arith.constant 0 : i32
        %dma_start3A_166 = tpu.memref_slice %arg3[%dma_start3A_164, %dma_start3A_165] : memref<1000000x64xf32, #tpu.memory_space<hbm>> -> memref<1000000x64xf32, #tpu.memory_space<hbm>>
        tpu.enqueue_indirect_dma source(%dma_start3A_166 : memref<1000000x64xf32, #tpu.memory_space<hbm>>) target(%arg7 : memref<128x64xf32, #tpu.memory_space<vmem>>) offsets(%dma_start3A_163 : memref<128xi32, #tpu.memory_space<vmem>>) semaphore(%arg12 : memref<!tpu.dma_semaphore, #tpu.memory_space<semaphore_mem>>)
      } else {
      }
      %mul3A_82 = arith.constant 2 : i32
      %mul3A_83 = arith.muli %mul3A_82, %scan3A_44 : i32
      %add3A_84 = arith.constant 1 : i32
      %add3A_85 = arith.addi %mul3A_83, %add3A_84 : i32
      %ge3A_86 = arith.constant 2 : i32
      %ge3A_87 = arith.cmpi sge, %add3A_85, %ge3A_86 : i32
      %convert_element_type3A_88 = arith.extui %ge3A_87 : i1 to i32
      %cond3A_89 = arith.constant 0 : i32
      %cond3A_90 = arith.cmpi ne, %convert_element_type3A_88, %cond3A_89 : i32
      scf.if %cond3A_90 {
        %dma_wait3A_127 = arith.constant 0 : i32
        %dma_wait3A_128 = arith.constant 0 : i32
        %dma_wait3A_129 = arith.constant 0 : i32
        %dma_wait3A_130 = arith.constant 0 : i32
        %dma_wait3A_131 = tpu.memref_slice %arg5[%dma_wait3A_127, %dma_wait3A_129, %dma_wait3A_128, %dma_wait3A_130] : memref<32x128x200x64xf32, #tpu.memory_space<hbm>> -> memref<1x128x1x64xf32, #tpu.memory_space<hbm>>
        %dma_wait3A_132 = tpu.memref_squeeze %dma_wait3A_131 : memref<1x128x1x64xf32, #tpu.memory_space<hbm>> -> memref<128x64xf32, #tpu.memory_space<hbm>>
        %dma_wait3A_133 = arith.constant 0 : i32
        %dma_wait3A_134 = arith.constant 0 : i32
        %dma_wait3A_135 = tpu.memref_slice %arg5[%dma_wait3A_127, %dma_wait3A_133, %dma_wait3A_128, %dma_wait3A_134] : memref<32x128x200x64xf32, #tpu.memory_space<hbm>> -> memref<1x128x1x64xf32, #tpu.memory_space<hbm>>
        %dma_wait3A_136 = tpu.memref_squeeze %dma_wait3A_135 : memref<1x128x1x64xf32, #tpu.memory_space<hbm>> -> memref<128x64xf32, #tpu.memory_space<hbm>>
        tpu.wait_dma2 semaphore(%arg15 : memref<!tpu.dma_semaphore, #tpu.memory_space<semaphore_mem>>) src(%arg10 : memref<128x64xf32, #tpu.memory_space<vmem>>) dst(%dma_wait3A_136 : memref<128x64xf32, #tpu.memory_space<hbm>>)
      } else {
      }
      %dma_wait3A_91 = arith.constant 0 : i32
      %dma_wait3A_92 = arith.constant 0 : i32
      %dma_wait3A_93 = tpu.memref_slice %arg3[%dma_wait3A_91, %dma_wait3A_92] : memref<1000000x64xf32, #tpu.memory_space<hbm>> -> memref<128x64xf32, #tpu.memory_space<hbm>>
      %dma_wait3A_94 = arith.constant 0 : i32
      %dma_wait3A_95 = arith.constant 0 : i32
      %dma_wait3A_96 = tpu.memref_slice %arg3[%dma_wait3A_94, %dma_wait3A_95] : memref<1000000x64xf32, #tpu.memory_space<hbm>> -> memref<128x64xf32, #tpu.memory_space<hbm>>
      tpu.wait_dma2 semaphore(%arg13 : memref<!tpu.dma_semaphore, #tpu.memory_space<semaphore_mem>>) src(%dma_wait3A_96 : memref<128x64xf32, #tpu.memory_space<hbm>>) dst(%arg8 : memref<128x64xf32, #tpu.memory_space<vmem>>)
      %get3A_97 = arith.index_cast %add3A_85 : i32 to index
      %get3A_98 = arith.constant 0 : index
      %get3A_99 = tpu.vector_load %arg11[%get3A_97, %get3A_98] {strides = array<i32>} : memref<200x64xf32, #tpu.memory_space<vmem>>, vector<16xf32>,
      %get3A_100 = arith.index_cast %add3A_85 : i32 to index
      %get3A_101 = arith.constant 16 : index
      %get3A_102 = tpu.vector_load %arg11[%get3A_100, %get3A_101] {strides = array<i32>} : memref<200x64xf32, #tpu.memory_space<vmem>>, vector<16xf32>,
      %get3A_103 = arith.index_cast %add3A_85 : i32 to index
      %get3A_104 = arith.constant 32 : index
      %get3A_105 = tpu.vector_load %arg11[%get3A_103, %get3A_104] {strides = array<i32>} : memref<200x64xf32, #tpu.memory_space<vmem>>, vector<16xf32>,
      %get3A_106 = arith.index_cast %add3A_85 : i32 to index
      %get3A_107 = arith.constant 48 : index
      %get3A_108 = tpu.vector_load %arg11[%get3A_106, %get3A_107] {strides = array<i32>} : memref<200x64xf32, #tpu.memory_space<vmem>>, vector<16xf32>,
      %parallel_loop3A_109 = arith.constant 0 : i32
      %parallel_loop3A_110 = arith.constant 128 : i32
      %parallel_loop3A_111 = arith.constant 1 : i32
      scf.for %parallel_loop3A_127 = %parallel_loop3A_109 to %parallel_loop3A_110 step %parallel_loop3A_111  : i32 {
        %parallel_loop3A_128 = arith.index_cast %parallel_loop3A_127 : i32 to index
        %parallel_loop3A_129 = arith.constant 0 : index
        %parallel_loop3A_130 = tpu.vector_load %arg8[%parallel_loop3A_128, %parallel_loop3A_129] {strides = array<i32>} : memref<128x64xf32, #tpu.memory_space<vmem>>, vector<16xf32>,
        %parallel_loop3A_131 = arith.constant 8.000000e+00 : f32
        %parallel_loop3A_132 = vector.broadcast %parallel_loop3A_131 : f32 to vector<16xf32>
        %parallel_loop3A_133 = arith.mulf %parallel_loop3A_130, %parallel_loop3A_132 : vector<16xf32>
        %parallel_loop3A_134 = arith.addf %parallel_loop3A_133, %get3A_99 : vector<16xf32>
        %parallel_loop3A_135 = arith.index_cast %parallel_loop3A_127 : i32 to index
        %parallel_loop3A_136 = arith.constant 0 : index
        %parallel_loop3A_137 = tpu.vector_load %arg10[%parallel_loop3A_135, %parallel_loop3A_136] {strides = array<i32>} : memref<128x64xf32, #tpu.memory_space<vmem>>, vector<16xf32>,
        tpu.vector_store %arg10[%parallel_loop3A_135, %parallel_loop3A_136], %parallel_loop3A_134 {strides = array<i32>} : memref<128x64xf32, #tpu.memory_space<vmem>>, vector<16xf32>,
        %parallel_loop3A_138 = arith.index_cast %parallel_loop3A_127 : i32 to index
        %parallel_loop3A_139 = arith.constant 16 : index
        %parallel_loop3A_140 = tpu.vector_load %arg8[%parallel_loop3A_138, %parallel_loop3A_139] {strides = array<i32>} : memref<128x64xf32, #tpu.memory_space<vmem>>, vector<16xf32>,
        %parallel_loop3A_141 = arith.constant 8.000000e+00 : f32
        %parallel_loop3A_142 = vector.broadcast %parallel_loop3A_141 : f32 to vector<16xf32>
        %parallel_loop3A_143 = arith.mulf %parallel_loop3A_140, %parallel_loop3A_142 : vector<16xf32>
        %parallel_loop3A_144 = arith.addf %parallel_loop3A_143, %get3A_102 : vector<16xf32>
        %parallel_loop3A_145 = arith.index_cast %parallel_loop3A_127 : i32 to index
        %parallel_loop3A_146 = arith.constant 16 : index
        %parallel_loop3A_147 = tpu.vector_load %arg10[%parallel_loop3A_145, %parallel_loop3A_146] {strides = array<i32>} : memref<128x64xf32, #tpu.memory_space<vmem>>, vector<16xf32>,
        tpu.vector_store %arg10[%parallel_loop3A_145, %parallel_loop3A_146], %parallel_loop3A_144 {strides = array<i32>} : memref<128x64xf32, #tpu.memory_space<vmem>>, vector<16xf32>,
        %parallel_loop3A_148 = arith.index_cast %parallel_loop3A_127 : i32 to index
        %parallel_loop3A_149 = arith.constant 32 : index
        %parallel_loop3A_150 = tpu.vector_load %arg8[%parallel_loop3A_148, %parallel_loop3A_149] {strides = array<i32>} : memref<128x64xf32, #tpu.memory_space<vmem>>, vector<16xf32>,
        %parallel_loop3A_151 = arith.constant 8.000000e+00 : f32
        %parallel_loop3A_152 = vector.broadcast %parallel_loop3A_151 : f32 to vector<16xf32>
        %parallel_loop3A_153 = arith.mulf %parallel_loop3A_150, %parallel_loop3A_152 : vector<16xf32>
        %parallel_loop3A_154 = arith.addf %parallel_loop3A_153, %get3A_105 : vector<16xf32>
        %parallel_loop3A_155 = arith.index_cast %parallel_loop3A_127 : i32 to index
        %parallel_loop3A_156 = arith.constant 32 : index
        %parallel_loop3A_157 = tpu.vector_load %arg10[%parallel_loop3A_155, %parallel_loop3A_156] {strides = array<i32>} : memref<128x64xf32, #tpu.memory_space<vmem>>, vector<16xf32>,
        tpu.vector_store %arg10[%parallel_loop3A_155, %parallel_loop3A_156], %parallel_loop3A_154 {strides = array<i32>} : memref<128x64xf32, #tpu.memory_space<vmem>>, vector<16xf32>,
        %parallel_loop3A_158 = arith.index_cast %parallel_loop3A_127 : i32 to index
        %parallel_loop3A_159 = arith.constant 48 : index
        %parallel_loop3A_160 = tpu.vector_load %arg8[%parallel_loop3A_158, %parallel_loop3A_159] {strides = array<i32>} : memref<128x64xf32, #tpu.memory_space<vmem>>, vector<16xf32>,
        %parallel_loop3A_161 = arith.constant 8.000000e+00 : f32
        %parallel_loop3A_162 = vector.broadcast %parallel_loop3A_161 : f32 to vector<16xf32>
        %parallel_loop3A_163 = arith.mulf %parallel_loop3A_160, %parallel_loop3A_162 : vector<16xf32>
        %parallel_loop3A_164 = arith.addf %parallel_loop3A_163, %get3A_108 : vector<16xf32>
        %parallel_loop3A_165 = arith.index_cast %parallel_loop3A_127 : i32 to index
        %parallel_loop3A_166 = arith.constant 48 : index
        %parallel_loop3A_167 = tpu.vector_load %arg10[%parallel_loop3A_165, %parallel_loop3A_166] {strides = array<i32>} : memref<128x64xf32, #tpu.memory_space<vmem>>, vector<16xf32>,
        tpu.vector_store %arg10[%parallel_loop3A_165, %parallel_loop3A_166], %parallel_loop3A_164 {strides = array<i32>} : memref<128x64xf32, #tpu.memory_space<vmem>>, vector<16xf32>,
      } {sc.loop_unroll_factor = 4 : i64, sc.parallel_access}
      %dma_start3A_112 = arith.constant 0 : i32
      %dma_start3A_113 = arith.constant 0 : i32
      %dma_start3A_114 = tpu.memref_slice %arg5[%add3A, %dma_start3A_112, %add3A_85, %dma_start3A_113] : memref<32x128x200x64xf32, #tpu.memory_space<hbm>> -> memref<1x128x1x64xf32, #tpu.memory_space<hbm>>
      %dma_start3A_115 = tpu.memref_squeeze %dma_start3A_114 : memref<1x128x1x64xf32, #tpu.memory_space<hbm>> -> memref<128x64xf32, #tpu.memory_space<hbm>>
      %dma_start3A_116 = arith.constant 0 : i32
      %dma_start3A_117 = arith.constant 0 : i32
      %dma_start3A_118 = tpu.memref_slice %arg5[%add3A, %dma_start3A_116, %add3A_85, %dma_start3A_117] : memref<32x128x200x64xf32, #tpu.memory_space<hbm>> -> memref<1x128x1x64xf32, #tpu.memory_space<hbm>>
      %dma_start3A_119 = tpu.memref_squeeze %dma_start3A_118 : memref<1x128x1x64xf32, #tpu.memory_space<hbm>> -> memref<128x64xf32, #tpu.memory_space<hbm>>
      tpu.enqueue_dma source(%arg10 : memref<128x64xf32, #tpu.memory_space<vmem>>) target(%dma_start3A_119 : memref<128x64xf32, #tpu.memory_space<hbm>>) target_semaphore(%arg15 : memref<!tpu.dma_semaphore, #tpu.memory_space<semaphore_mem>>)
      %add3A_120 = arith.constant 2 : i32
      %add3A_121 = arith.addi %add3A_85, %add3A_120 : i32
      %lt3A_122 = arith.constant 200 : i32
      %lt3A_123 = arith.cmpi slt, %add3A_121, %lt3A_122 : i32
      %convert_element_type3A_124 = arith.extui %lt3A_123 : i1 to i32
      %cond3A_125 = arith.constant 0 : i32
      %cond3A_126 = arith.cmpi ne, %convert_element_type3A_124, %cond3A_125 : i32
      scf.if %cond3A_126 {
        %add3A_127 = arith.constant 2 : i32
        %add3A_128 = arith.addi %add3A_85, %add3A_127 : i32
        %jit3A = arith.constant 8 : i32
        %div3A = arith.divsi %add3A_128, %jit3A : i32
        %sign3A = arith.constant 0 : i32
        %sign3A_129 = arith.cmpi sgt, %add3A_128, %sign3A : i32
        %sign3A_130 = arith.extui %sign3A_129 : i1 to i32
        %sign3A_131 = arith.constant 0 : i32
        %sign3A_132 = arith.cmpi slt, %add3A_128, %sign3A_131 : i32
        %sign3A_133 = arith.extui %sign3A_132 : i1 to i32
        %sign3A_134 = arith.subi %sign3A_130, %sign3A_133 : i32
        %sign3A_135 = arith.constant 0 : i32
        %sign3A_136 = arith.cmpi sgt, %jit3A, %sign3A_135 : i32
        %sign3A_137 = arith.extui %sign3A_136 : i1 to i32
        %sign3A_138 = arith.constant 0 : i32
        %sign3A_139 = arith.cmpi slt, %jit3A, %sign3A_138 : i32
        %sign3A_140 = arith.extui %sign3A_139 : i1 to i32
        %sign3A_141 = arith.subi %sign3A_137, %sign3A_140 : i32
        %ne3A = arith.cmpi ne, %sign3A_134, %sign3A_141 : i32
        %rem3A = arith.remsi %add3A_128, %jit3A : i32
        %ne3A_142 = arith.constant 0 : i32
        %ne3A_143 = arith.cmpi ne, %rem3A, %ne3A_142 : i32
        %and3A = arith.andi %ne3A, %ne3A_143 : i1
        %sub3A = arith.constant 1 : i32
        %sub3A_144 = arith.subi %div3A, %sub3A : i32
        %select_n3A = arith.select %and3A, %sub3A_144, %div3A : i32
        %jit3A_145 = arith.constant 8 : i32
        %eq3A = arith.constant 0 : i32
        %eq3A_146 = arith.cmpi eq, %jit3A_145, %eq3A : i32
        %jit3A_147 = arith.constant 1 : i32
        %select_n3A_148 = arith.select %eq3A_146, %jit3A_147, %jit3A_145 : i32
        %rem3A_149 = arith.remsi %add3A_128, %select_n3A_148 : i32
        %ne3A_150 = arith.constant 0 : i32
        %ne3A_151 = arith.cmpi ne, %rem3A_149, %ne3A_150 : i32
        %lt3A_152 = arith.constant 0 : i32
        %lt3A_153 = arith.cmpi slt, %rem3A_149, %lt3A_152 : i32
        %lt3A_154 = arith.constant 0 : i32
        %lt3A_155 = arith.cmpi slt, %select_n3A_148, %lt3A_154 : i32
        %ne3A_156 = arith.xori %lt3A_153, %lt3A_155 : i1
        %and3A_157 = arith.andi %ne3A_156, %ne3A_151 : i1
        %add3A_158 = arith.addi %rem3A_149, %select_n3A_148 : i32
        %select_n3A_159 = arith.select %and3A_157, %add3A_158, %rem3A_149 : i32
        %dma_start3A_160 = arith.constant 0 : i32
        %dma_start3A_161 = arith.constant 0 : i32
        %dma_start3A_162 = tpu.memref_slice %arg6[%select_n3A, %dma_start3A_160, %select_n3A_159, %dma_start3A_161] : memref<25x1x8x128xi32, #tpu.memory_space<vmem>> -> memref<1x1x1x128xi32, #tpu.memory_space<vmem>>
        %dma_start3A_163 = tpu.memref_squeeze %dma_start3A_162 : memref<1x1x1x128xi32, #tpu.memory_space<vmem>> -> memref<128xi32, #tpu.memory_space<vmem>>
        %dma_start3A_164 = arith.constant 0 : i32
        %dma_start3A_165 = arith.constant 0 : i32
        %dma_start3A_166 = tpu.memref_slice %arg3[%dma_start3A_164, %dma_start3A_165] : memref<1000000x64xf32, #tpu.memory_space<hbm>> -> memref<1000000x64xf32, #tpu.memory_space<hbm>>
        tpu.enqueue_indirect_dma source(%dma_start3A_166 : memref<1000000x64xf32, #tpu.memory_space<hbm>>) target(%arg8 : memref<128x64xf32, #tpu.memory_space<vmem>>) offsets(%dma_start3A_163 : memref<128xi32, #tpu.memory_space<vmem>>) semaphore(%arg13 : memref<!tpu.dma_semaphore, #tpu.memory_space<semaphore_mem>>)
      } else {
      }
    }
    %scan3A_24 = arith.constant 100 : i32
    %dma_wait3A = arith.constant 0 : i32
    %dma_wait3A_25 = arith.constant 0 : i32
    %dma_wait3A_26 = arith.constant 0 : i32
    %dma_wait3A_27 = arith.constant 0 : i32
    %dma_wait3A_28 = tpu.memref_slice %arg5[%dma_wait3A, %dma_wait3A_26, %dma_wait3A_25, %dma_wait3A_27] : memref<32x128x200x64xf32, #tpu.memory_space<hbm>> -> memref<1x128x1x64xf32, #tpu.memory_space<hbm>>
    %dma_wait3A_29 = tpu.memref_squeeze %dma_wait3A_28 : memref<1x128x1x64xf32, #tpu.memory_space<hbm>> -> memref<128x64xf32, #tpu.memory_space<hbm>>
    %dma_wait3A_30 = arith.constant 0 : i32
    %dma_wait3A_31 = arith.constant 0 : i32
    %dma_wait3A_32 = tpu.memref_slice %arg5[%dma_wait3A, %dma_wait3A_30, %dma_wait3A_25, %dma_wait3A_31] : memref<32x128x200x64xf32, #tpu.memory_space<hbm>> -> memref<1x128x1x64xf32, #tpu.memory_space<hbm>>
    %dma_wait3A_33 = tpu.memref_squeeze %dma_wait3A_32 : memref<1x128x1x64xf32, #tpu.memory_space<hbm>> -> memref<128x64xf32, #tpu.memory_space<hbm>>
    tpu.wait_dma2 semaphore(%arg14 : memref<!tpu.dma_semaphore, #tpu.memory_space<semaphore_mem>>) src(%arg9 : memref<128x64xf32, #tpu.memory_space<vmem>>) dst(%dma_wait3A_33 : memref<128x64xf32, #tpu.memory_space<hbm>>)
    %dma_wait3A_34 = arith.constant 0 : i32
    %dma_wait3A_35 = arith.constant 0 : i32
    %dma_wait3A_36 = arith.constant 0 : i32
    %dma_wait3A_37 = arith.constant 0 : i32
    %dma_wait3A_38 = tpu.memref_slice %arg5[%dma_wait3A_34, %dma_wait3A_36, %dma_wait3A_35, %dma_wait3A_37] : memref<32x128x200x64xf32, #tpu.memory_space<hbm>> -> memref<1x128x1x64xf32, #tpu.memory_space<hbm>>
    %dma_wait3A_39 = tpu.memref_squeeze %dma_wait3A_38 : memref<1x128x1x64xf32, #tpu.memory_space<hbm>> -> memref<128x64xf32, #tpu.memory_space<hbm>>
    %dma_wait3A_40 = arith.constant 0 : i32
    %dma_wait3A_41 = arith.constant 0 : i32
    %dma_wait3A_42 = tpu.memref_slice %arg5[%dma_wait3A_34, %dma_wait3A_40, %dma_wait3A_35, %dma_wait3A_41] : memref<32x128x200x64xf32, #tpu.memory_space<hbm>> -> memref<1x128x1x64xf32, #tpu.memory_space<hbm>>
    %dma_wait3A_43 = tpu.memref_squeeze %dma_wait3A_42 : memref<1x128x1x64xf32, #tpu.memory_space<hbm>> -> memref<128x64xf32, #tpu.memory_space<hbm>>
    tpu.wait_dma2 semaphore(%arg15 : memref<!tpu.dma_semaphore, #tpu.memory_space<semaphore_mem>>) src(%arg10 : memref<128x64xf32, #tpu.memory_space<vmem>>) dst(%dma_wait3A_43 : memref<128x64xf32, #tpu.memory_space<hbm>>)
    return
  }
}

module attributes {stable_mosaic.version = 14 : i64} {
  func.func @_tc_transpose(%arg0: i32, %arg1: i32, %arg2: memref<1x128x8x64xf32, #tpu.memory_space<vmem>>, %arg3: memref<8x8x1x8x128xf32, #tpu.memory_space<vmem>>) attributes {dimension_semantics = [#tpu.dimension_semantics<arbitrary>, #tpu.dimension_semantics<arbitrary>], iteration_bounds = array<i64: 25, 32>, scalar_prefetch = 0 : i64, scratch_operands = 0 : i64, tpu.core_type = #tpu.core_type<tc>, window_params = [{transform_indices = @transform_0, window_bounds = array<i64: 1, 128, 8, 64>}, {transform_indices = @transform_1, window_bounds = array<i64: 8, 8, 1, 8, 128>}]} {
    %get3A = arith.constant 0 : index
    %get3A_0 = arith.constant 0 : index
    %get3A_1 = arith.constant 0 : index
    %get3A_2 = arith.constant 0 : index
    %get3A_3 = vector.load %arg2[%get3A, %get3A_0, %get3A_1, %get3A_2] : memref<1x128x8x64xf32, #tpu.memory_space<vmem>>, vector<1x128x1x64xf32>
    %get3A_4 = vector.shape_cast %get3A_3 : vector<1x128x1x64xf32> to vector<128x64xf32>
    %transpose3A = tpu.transpose %get3A_4, [1, 0] : vector<128x64xf32> -> vector<64x128xf32>
    %reshape3A = vector.shape_cast %transpose3A : vector<64x128xf32> to vector<8x8x128xf32>
    %swap3A = arith.constant 0 : index
    %swap3A_5 = arith.constant 0 : index
    %swap3A_6 = arith.constant 0 : index
    %swap3A_7 = arith.constant 0 : index
    %swap3A_8 = arith.constant 0 : index
    %swap3A_9 = vector.load %arg3[%swap3A, %swap3A_5, %swap3A_6, %swap3A_7, %swap3A_8] : memref<8x8x1x8x128xf32, #tpu.memory_space<vmem>>, vector<1x8x1x8x128xf32>
    %swap3A_10 = vector.shape_cast %swap3A_9 : vector<1x8x1x8x128xf32> to vector<8x8x128xf32>
    %swap3A_11 = vector.shape_cast %reshape3A : vector<8x8x128xf32> to vector<1x8x1x8x128xf32>
    tpu.vector_store %arg3[%swap3A, %swap3A_5, %swap3A_6, %swap3A_7, %swap3A_8], %swap3A_11 {strides = array<i32>} : memref<8x8x1x8x128xf32, #tpu.memory_space<vmem>>, vector<1x8x1x8x128xf32>,
    %get3A_12 = arith.constant 0 : index
    %get3A_13 = arith.constant 0 : index
    %get3A_14 = arith.constant 1 : index
    %get3A_15 = arith.constant 0 : index
    %get3A_16 = vector.load %arg2[%get3A_12, %get3A_13, %get3A_14, %get3A_15] : memref<1x128x8x64xf32, #tpu.memory_space<vmem>>, vector<1x128x1x64xf32>
    %get3A_17 = vector.shape_cast %get3A_16 : vector<1x128x1x64xf32> to vector<128x64xf32>
    %transpose3A_18 = tpu.transpose %get3A_17, [1, 0] : vector<128x64xf32> -> vector<64x128xf32>
    %reshape3A_19 = vector.shape_cast %transpose3A_18 : vector<64x128xf32> to vector<8x8x128xf32>
    %swap3A_20 = arith.constant 1 : index
    %swap3A_21 = arith.constant 0 : index
    %swap3A_22 = arith.constant 0 : index
    %swap3A_23 = arith.constant 0 : index
    %swap3A_24 = arith.constant 0 : index
    %swap3A_25 = vector.load %arg3[%swap3A_20, %swap3A_21, %swap3A_22, %swap3A_23, %swap3A_24] : memref<8x8x1x8x128xf32, #tpu.memory_space<vmem>>, vector<1x8x1x8x128xf32>
    %swap3A_26 = vector.shape_cast %swap3A_25 : vector<1x8x1x8x128xf32> to vector<8x8x128xf32>
    %swap3A_27 = vector.shape_cast %reshape3A_19 : vector<8x8x128xf32> to vector<1x8x1x8x128xf32>
    tpu.vector_store %arg3[%swap3A_20, %swap3A_21, %swap3A_22, %swap3A_23, %swap3A_24], %swap3A_27 {strides = array<i32>} : memref<8x8x1x8x128xf32, #tpu.memory_space<vmem>>, vector<1x8x1x8x128xf32>,
    %get3A_28 = arith.constant 0 : index
    %get3A_29 = arith.constant 0 : index
    %get3A_30 = arith.constant 2 : index
    %get3A_31 = arith.constant 0 : index
    %get3A_32 = vector.load %arg2[%get3A_28, %get3A_29, %get3A_30, %get3A_31] : memref<1x128x8x64xf32, #tpu.memory_space<vmem>>, vector<1x128x1x64xf32>
    %get3A_33 = vector.shape_cast %get3A_32 : vector<1x128x1x64xf32> to vector<128x64xf32>
    %transpose3A_34 = tpu.transpose %get3A_33, [1, 0] : vector<128x64xf32> -> vector<64x128xf32>
    %reshape3A_35 = vector.shape_cast %transpose3A_34 : vector<64x128xf32> to vector<8x8x128xf32>
    %swap3A_36 = arith.constant 2 : index
    %swap3A_37 = arith.constant 0 : index
    %swap3A_38 = arith.constant 0 : index
    %swap3A_39 = arith.constant 0 : index
    %swap3A_40 = arith.constant 0 : index
    %swap3A_41 = vector.load %arg3[%swap3A_36, %swap3A_37, %swap3A_38, %swap3A_39, %swap3A_40] : memref<8x8x1x8x128xf32, #tpu.memory_space<vmem>>, vector<1x8x1x8x128xf32>
    %swap3A_42 = vector.shape_cast %swap3A_41 : vector<1x8x1x8x128xf32> to vector<8x8x128xf32>
    %swap3A_43 = vector.shape_cast %reshape3A_35 : vector<8x8x128xf32> to vector<1x8x1x8x128xf32>
    tpu.vector_store %arg3[%swap3A_36, %swap3A_37, %swap3A_38, %swap3A_39, %swap3A_40], %swap3A_43 {strides = array<i32>} : memref<8x8x1x8x128xf32, #tpu.memory_space<vmem>>, vector<1x8x1x8x128xf32>,
    %get3A_44 = arith.constant 0 : index
    %get3A_45 = arith.constant 0 : index
    %get3A_46 = arith.constant 3 : index
    %get3A_47 = arith.constant 0 : index
    %get3A_48 = vector.load %arg2[%get3A_44, %get3A_45, %get3A_46, %get3A_47] : memref<1x128x8x64xf32, #tpu.memory_space<vmem>>, vector<1x128x1x64xf32>
    %get3A_49 = vector.shape_cast %get3A_48 : vector<1x128x1x64xf32> to vector<128x64xf32>
    %transpose3A_50 = tpu.transpose %get3A_49, [1, 0] : vector<128x64xf32> -> vector<64x128xf32>
    %reshape3A_51 = vector.shape_cast %transpose3A_50 : vector<64x128xf32> to vector<8x8x128xf32>
    %swap3A_52 = arith.constant 3 : index
    %swap3A_53 = arith.constant 0 : index
    %swap3A_54 = arith.constant 0 : index
    %swap3A_55 = arith.constant 0 : index
    %swap3A_56 = arith.constant 0 : index
    %swap3A_57 = vector.load %arg3[%swap3A_52, %swap3A_53, %swap3A_54, %swap3A_55, %swap3A_56] : memref<8x8x1x8x128xf32, #tpu.memory_space<vmem>>, vector<1x8x1x8x128xf32>
    %swap3A_58 = vector.shape_cast %swap3A_57 : vector<1x8x1x8x128xf32> to vector<8x8x128xf32>
    %swap3A_59 = vector.shape_cast %reshape3A_51 : vector<8x8x128xf32> to vector<1x8x1x8x128xf32>
    tpu.vector_store %arg3[%swap3A_52, %swap3A_53, %swap3A_54, %swap3A_55, %swap3A_56], %swap3A_59 {strides = array<i32>} : memref<8x8x1x8x128xf32, #tpu.memory_space<vmem>>, vector<1x8x1x8x128xf32>,
    %get3A_60 = arith.constant 0 : index
    %get3A_61 = arith.constant 0 : index
    %get3A_62 = arith.constant 4 : index
    %get3A_63 = arith.constant 0 : index
    %get3A_64 = vector.load %arg2[%get3A_60, %get3A_61, %get3A_62, %get3A_63] : memref<1x128x8x64xf32, #tpu.memory_space<vmem>>, vector<1x128x1x64xf32>
    %get3A_65 = vector.shape_cast %get3A_64 : vector<1x128x1x64xf32> to vector<128x64xf32>
    %transpose3A_66 = tpu.transpose %get3A_65, [1, 0] : vector<128x64xf32> -> vector<64x128xf32>
    %reshape3A_67 = vector.shape_cast %transpose3A_66 : vector<64x128xf32> to vector<8x8x128xf32>
    %swap3A_68 = arith.constant 4 : index
    %swap3A_69 = arith.constant 0 : index
    %swap3A_70 = arith.constant 0 : index
    %swap3A_71 = arith.constant 0 : index
    %swap3A_72 = arith.constant 0 : index
    %swap3A_73 = vector.load %arg3[%swap3A_68, %swap3A_69, %swap3A_70, %swap3A_71, %swap3A_72] : memref<8x8x1x8x128xf32, #tpu.memory_space<vmem>>, vector<1x8x1x8x128xf32>
    %swap3A_74 = vector.shape_cast %swap3A_73 : vector<1x8x1x8x128xf32> to vector<8x8x128xf32>
    %swap3A_75 = vector.shape_cast %reshape3A_67 : vector<8x8x128xf32> to vector<1x8x1x8x128xf32>
    tpu.vector_store %arg3[%swap3A_68, %swap3A_69, %swap3A_70, %swap3A_71, %swap3A_72], %swap3A_75 {strides = array<i32>} : memref<8x8x1x8x128xf32, #tpu.memory_space<vmem>>, vector<1x8x1x8x128xf32>,
    %get3A_76 = arith.constant 0 : index
    %get3A_77 = arith.constant 0 : index
    %get3A_78 = arith.constant 5 : index
    %get3A_79 = arith.constant 0 : index
    %get3A_80 = vector.load %arg2[%get3A_76, %get3A_77, %get3A_78, %get3A_79] : memref<1x128x8x64xf32, #tpu.memory_space<vmem>>, vector<1x128x1x64xf32>
    %get3A_81 = vector.shape_cast %get3A_80 : vector<1x128x1x64xf32> to vector<128x64xf32>
    %transpose3A_82 = tpu.transpose %get3A_81, [1, 0] : vector<128x64xf32> -> vector<64x128xf32>
    %reshape3A_83 = vector.shape_cast %transpose3A_82 : vector<64x128xf32> to vector<8x8x128xf32>
    %swap3A_84 = arith.constant 5 : index
    %swap3A_85 = arith.constant 0 : index
    %swap3A_86 = arith.constant 0 : index
    %swap3A_87 = arith.constant 0 : index
    %swap3A_88 = arith.constant 0 : index
    %swap3A_89 = vector.load %arg3[%swap3A_84, %swap3A_85, %swap3A_86, %swap3A_87, %swap3A_88] : memref<8x8x1x8x128xf32, #tpu.memory_space<vmem>>, vector<1x8x1x8x128xf32>
    %swap3A_90 = vector.shape_cast %swap3A_89 : vector<1x8x1x8x128xf32> to vector<8x8x128xf32>
    %swap3A_91 = vector.shape_cast %reshape3A_83 : vector<8x8x128xf32> to vector<1x8x1x8x128xf32>
    tpu.vector_store %arg3[%swap3A_84, %swap3A_85, %swap3A_86, %swap3A_87, %swap3A_88], %swap3A_91 {strides = array<i32>} : memref<8x8x1x8x128xf32, #tpu.memory_space<vmem>>, vector<1x8x1x8x128xf32>,
    %get3A_92 = arith.constant 0 : index
    %get3A_93 = arith.constant 0 : index
    %get3A_94 = arith.constant 6 : index
    %get3A_95 = arith.constant 0 : index
    %get3A_96 = vector.load %arg2[%get3A_92, %get3A_93, %get3A_94, %get3A_95] : memref<1x128x8x64xf32, #tpu.memory_space<vmem>>, vector<1x128x1x64xf32>
    %get3A_97 = vector.shape_cast %get3A_96 : vector<1x128x1x64xf32> to vector<128x64xf32>
    %transpose3A_98 = tpu.transpose %get3A_97, [1, 0] : vector<128x64xf32> -> vector<64x128xf32>
    %reshape3A_99 = vector.shape_cast %transpose3A_98 : vector<64x128xf32> to vector<8x8x128xf32>
    %swap3A_100 = arith.constant 6 : index
    %swap3A_101 = arith.constant 0 : index
    %swap3A_102 = arith.constant 0 : index
    %swap3A_103 = arith.constant 0 : index
    %swap3A_104 = arith.constant 0 : index
    %swap3A_105 = vector.load %arg3[%swap3A_100, %swap3A_101, %swap3A_102, %swap3A_103, %swap3A_104] : memref<8x8x1x8x128xf32, #tpu.memory_space<vmem>>, vector<1x8x1x8x128xf32>
    %swap3A_106 = vector.shape_cast %swap3A_105 : vector<1x8x1x8x128xf32> to vector<8x8x128xf32>
    %swap3A_107 = vector.shape_cast %reshape3A_99 : vector<8x8x128xf32> to vector<1x8x1x8x128xf32>
    tpu.vector_store %arg3[%swap3A_100, %swap3A_101, %swap3A_102, %swap3A_103, %swap3A_104], %swap3A_107 {strides = array<i32>} : memref<8x8x1x8x128xf32, #tpu.memory_space<vmem>>, vector<1x8x1x8x128xf32>,
    %get3A_108 = arith.constant 0 : index
    %get3A_109 = arith.constant 0 : index
    %get3A_110 = arith.constant 7 : index
    %get3A_111 = arith.constant 0 : index
    %get3A_112 = vector.load %arg2[%get3A_108, %get3A_109, %get3A_110, %get3A_111] : memref<1x128x8x64xf32, #tpu.memory_space<vmem>>, vector<1x128x1x64xf32>
    %get3A_113 = vector.shape_cast %get3A_112 : vector<1x128x1x64xf32> to vector<128x64xf32>
    %transpose3A_114 = tpu.transpose %get3A_113, [1, 0] : vector<128x64xf32> -> vector<64x128xf32>
    %reshape3A_115 = vector.shape_cast %transpose3A_114 : vector<64x128xf32> to vector<8x8x128xf32>
    %swap3A_116 = arith.constant 7 : index
    %swap3A_117 = arith.constant 0 : index
    %swap3A_118 = arith.constant 0 : index
    %swap3A_119 = arith.constant 0 : index
    %swap3A_120 = arith.constant 0 : index
    %swap3A_121 = vector.load %arg3[%swap3A_116, %swap3A_117, %swap3A_118, %swap3A_119, %swap3A_120] : memref<8x8x1x8x128xf32, #tpu.memory_space<vmem>>, vector<1x8x1x8x128xf32>
    %swap3A_122 = vector.shape_cast %swap3A_121 : vector<1x8x1x8x128xf32> to vector<8x8x128xf32>
    %swap3A_123 = vector.shape_cast %reshape3A_115 : vector<8x8x128xf32> to vector<1x8x1x8x128xf32>
    tpu.vector_store %arg3[%swap3A_116, %swap3A_117, %swap3A_118, %swap3A_119, %swap3A_120], %swap3A_123 {strides = array<i32>} : memref<8x8x1x8x128xf32, #tpu.memory_space<vmem>>, vector<1x8x1x8x128xf32>,
    return
  }
  func.func @transform_0(%arg0: i32, %arg1: i32) -> (i32, i32, i32, i32) {
    %c0_i32 = arith.constant 0 : i32
    %c0_i32_0 = arith.constant 0 : i32
    %c0_i32_1 = arith.constant 0 : i32
    return %arg1, %c0_i32, %arg0, %c0_i32_0 : i32, i32, i32, i32
  }
  func.func @transform_1(%arg0: i32, %arg1: i32) -> (i32, i32, i32, i32, i32) {
    %c0_i32 = arith.constant 0 : i32
    %c0_i32_0 = arith.constant 0 : i32
    %c0_i32_1 = arith.constant 0 : i32
    %c0_i32_2 = arith.constant 0 : i32
    return %arg0, %c0_i32, %arg1, %c0_i32_0, %c0_i32_1 : i32, i32, i32, i32, i32
  }
}

</mosaic_0001>

<sc_bundles>
// kernel: emb_gather.3.cloned.1.call-start
scs
__scs_entry_jumppad:
0x0: {  	(pc) =	sbr.rel $0x88, $3  }
0x1: {  	(tag) =	ssettag $0x0;
	lr =	simm.s32 $0x1  }
0x2: {  	[smem:$0x3F9E] =	sst lr;
	_ =	strace $0xD0000000  }
0x3: {  	_ = 	snop  }
0x4: {  	_ = 	snop  }
0x5: {  	_ = 	snop  }
0x6: {  	_ = 	snop  }
0x7: {  	_ = 	snop  }
__scs_overlays_trampoline_lowered:
0x8: {  	[smem:$0x3FAD] =	sst s0  }
0x9: {  	[smem:$0x3FAE] =	sst s1  }
0xa: {  	[smem:$0x3FAF] =	sst s2  }
0xb: {  	[smem:$0x3FB0] =	sst s3  }
0xc: {  	[smem:$0x3FB1] =	sst s4  }
0xd: {  	[smem:$0x3FB2] =	sst s5  }
0xe: {  	[smem:$0x3FB3] =	sst s6  }
0xf: {  	[smem:$0x3FB4] =	sst s7  }
0x10: {  	[smem:$0x3FB5] =	sst s8  }
0x11: {  	[smem:$0x3FB6] =	sst s9;
	s0 =	simm.s32 @!p0 $0x0  }
0x12: {  	s1 =	sld [smem:$0x3F9C];
	s0 =	simm.s32 @p0 $0x1  }
0x13: {  	[smem:$0x3FB7] =	sst s0;
	s0 =	simm.s32 @!p1 $0x0  }
0x14: {  	s2 =	sld [smem:$0x3F9B];
	s0 =	simm.s32 @p1 $0x1  }
0x15: {  	[smem:$0x3FB8] =	sst s0;
	s0 =	simm.s32 @!p2 $0x0  }
0x16: {  	s3 =	sld [smem:$0x3FDB];
	s0 =	simm.s32 @p2 $0x1  }
0x17: {  	s4 =	simm.s32 $0x1BF5;
	[smem:$0x3FBA] =	sst s0  }
0x18: {  	s0 =	sld [smem:$0x3F9D];
	_ =	swait.ge [sflag:s4], $0x0  }
0x19: {  	s7 =	sld [smem:$0x3F9E]  }
0x1a: {  	s8 =	sadd.s32 $0xFFFFE003, lr  }
0x1b: {  	s9 =	sadd.s32 $0xFFFFFEF7, lr;
	s5 =	simm.s32 $0xFFFFFFFF;
	p2 =	slt.u32 s8, $0xFFFFF086  }
0x1c: {  	p1 =	slt.u32 s9, $0xF7A;
	s5 =	simm.s32 @!p2 $0x0  }
0x1d: {  	s5 =	simm.s32 @p1 $0x1;
	p0 =	seq.s32 s7, s2  }
0x1e: {  	s7 =	smul.u32 @!p0 $0xF7A, s2;
	p2 =	seq.s32 @!p0 s5, $0x0  }
0x1f: {  	s9 =	smul.u32 $0xF7A, s1;
	s8 =	simm.s32 @!p0 $0x1BF5;
	p2 =	por !p2, p0  }
0x20: {  	[sflag:s8] =	ssyncset.s32 @!p0 $0xFFFFF086;
	s6 =	sadd.s32 @!p0 s3, s7;
	s7 =	simm.s32 @!p0 $0x108  }
0x21: {  	s3 =	sadd.s32 s3, s9;
	s6 =	sadd.s32 @!p0 $0x88, s6;
	s7 =	simm.s32 @p2 $0x1082  }
0x22: {  	[simem:s7], [sflag:s8] =	dma.local @!p0 [hbm:s6], $0xF7A  }
0x23: {  	s9 =	sor.u32 $0xD0000000, s2;
	s6 =	simm.s32 $0x108;
	_ =	swait.ge @!p0 [sflag:s8], $0x0  }
0x24: {  	s3 =	sadd.s32 $0x88, s3;
	s6 =	simm.s32 @!p1 $0x1082;
	[sflag:s4] =	ssyncset.s32 $0xFFFFF086  }
0x25: {  	[simem:s6], [sflag:s4] =	dma.local [hbm:s3], $0xF7A  }
0x26: {  	[smem:$0x3F9E] =	sst s1;
	(tag) =	ssettag s2;
	_ =	strace s9  }
0x27: {  	s1 =	sld [smem:$0x3FAE]  }
0x28: {  	s2 =	sld [smem:$0x3FAF]  }
0x29: {  	s4 =	sld [smem:$0x3FB1]  }
0x2a: {  	p0 =	seq.s32 s5, $0x0;
	s5 =	sld [smem:$0x3FB2]  }
0x2b: {  	s6 =	sld [smem:$0x3FB3]  }
0x2c: {  	s7 =	sld [smem:$0x3FB4]  }
0x2d: {  	s3 =	simm.s32 $0x108;
	s8 =	sld [smem:$0x3FB5]  }
0x2e: {  	s3 =	simm.s32 @!p0 $0x1082;
	s9 =	sld [smem:$0x3FB6]  }
0x2f: {  	lr =	sadd.s32 s0, s3;
	s0 =	sld [smem:$0x3FAD]  }
0x30: {  	s3 =	sld [smem:$0x3FB0]  }
0x31: {  	[smem:$0x3FB9] =	sst s10  }
0x32: {  	s10 =	sld [smem:$0x3FB7];
	_ =	sdelay $0x3  }
0x33: {  	p0 =	seq.s32 s10, $0x1;
	s10 =	sld [smem:$0x3FB9];
	_ =	sdelay $0x3  }
0x34: {  	[smem:$0x3FB9] =	sst s10  }
0x35: {  	s10 =	sld [smem:$0x3FB8];
	_ =	sdelay $0x3  }
0x36: {  	p1 =	seq.s32 s10, $0x1;
	s10 =	sld [smem:$0x3FB9];
	_ =	sdelay $0x3  }
0x37: {  	[smem:$0x3FB9] =	sst s10  }
0x38: {  	s10 =	sld [smem:$0x3FBA]  }
0x39: {  	_ = 	snop;
	(pc) =	sbr.ind lr, $3  }
0x3a: {  	_ = 	snop  }
0x3b: {  	_ = 	snop  }
0x3c: {  	p2 =	seq.s32 s10, $0x1;
	s10 =	sld [smem:$0x3FB9]  }
0x3d: {  	_ =	shalt  }
0x3e: {  	_ =	shalt  }
0x3f: {  	_ =	shalt  }
0x40: {  	_ =	shalt  }
0x41: {  	_ =	shalt  }
0x42: {  	_ =	shalt  }
0x43: {  	_ =	shalt  }
0x44: {  	_ =	shalt  }
0x45: {  	_ =	shalt  }
0x46: {  	_ =	shalt  }
0x47: {  	_ =	shalt  }
0x48: {  	_ =	shalt  }
0x49: {  	_ =	shalt  }
0x4a: {  	_ =	shalt  }
0x4b: {  	_ =	shalt  }
0x4c: {  	_ =	shalt  }
0x4d: {  	_ =	shalt  }
0x4e: {  	_ =	shalt  }
0x4f: {  	_ =	shalt  }
0x50: {  	_ =	shalt  }
0x51: {  	_ =	shalt  }
0x52: {  	_ =	shalt  }
0x53: {  	_ =	shalt  }
0x54: {  	_ =	shalt  }
0x55: {  	_ =	shalt  }
0x56: {  	_ =	shalt  }
0x57: {  	_ =	shalt  }
0x58: {  	_ =	shalt  }
0x59: {  	_ =	shalt  }
0x5a: {  	_ =	shalt  }
0x5b: {  	_ =	shalt  }
0x5c: {  	_ =	shalt  }
0x5d: {  	_ =	shalt  }
0x5e: {  	_ =	shalt  }
0x5f: {  	_ =	shalt  }
0x60: {  	_ =	shalt  }
0x61: {  	_ =	shalt  }
0x62: {  	_ =	shalt  }
0x63: {  	_ =	shalt  }
0x64: {  	_ =	shalt  }
0x65: {  	_ =	shalt  }
0x66: {  	_ =	shalt  }
0x67: {  	_ =	shalt  }
0x68: {  	_ =	shalt  }
0x69: {  	_ =	shalt  }
0x6a: {  	_ =	shalt  }
0x6b: {  	_ =	shalt  }
0x6c: {  	_ =	shalt  }
0x6d: {  	_ =	shalt  }
0x6e: {  	_ =	shalt  }
0x6f: {  	_ =	shalt  }
0x70: {  	_ =	shalt  }
0x71: {  	_ =	shalt  }
0x72: {  	_ =	shalt  }
0x73: {  	_ =	shalt  }
0x74: {  	_ =	shalt  }
0x75: {  	_ =	shalt  }
0x76: {  	_ =	shalt  }
0x77: {  	_ =	shalt  }
0x78: {  	_ =	shalt  }
0x79: {  	_ =	shalt  }
0x7a: {  	_ =	shalt  }
0x7b: {  	_ =	shalt  }
0x7c: {  	_ =	shalt  }
0x7d: {  	_ =	shalt  }
0x7e: {  	_ =	shalt  }
0x7f: {  	_ =	shalt  }
0x80: {  	_ =	shalt  }
0x81: {  	_ =	shalt  }
0x82: {  	_ =	shalt  }
0x83: {  	_ =	shalt  }
0x84: {  	_ =	shalt  }
0x85: {  	_ =	shalt  }
0x86: {  	_ =	shalt  }
0x87: {  	_ =	shalt  }
.Lfunc_end0:
.L_simem_size_0:
called_computation_lowered:
.L_overlay_start_0:
0x88: {  	s2 =	sld [smem:$0x3FD9]  }
0x89: {  	s3 =	sld [smem:$0x3FFE];
	_ =	sdelay $0x1  }
0x8a: {  	s1 =	srdreg.scid  }
0x8b: {  	s0 =	sand.u32 $0x1, s1  }
0x8c: {  	s17 =	sshll.u32 s0, $0xA;
	s2 =	sadd.s32 s3, s2  }
0x8d: {  	s2 =	sadd.s32 s2, s17  }
0x8e: {  	[smem:$0x3FC5] =	sst s2  }
0x8f: {  	_ = 	snop  }
0x90: {  	s2 =	sld [smem:$0x3FC9]  }
0x91: {  	s18 =	sld [smem:$0x3FD0];
	(tm) =	ssettm $0x1  }
0x92: {  	s4 =	sld [smem:$0x3FFB];
	_ =	sdelay $0x3  }
0x93: {  	_ =	strace s4  }
0x94: {  	s4 =	sld [smem:$0x3FFC];
	_ =	sdelay $0x3  }
0x95: {  	_ =	strace s4  }
0x96: {  	s4 =	sld [smem:$0x3FFD];
	_ =	sdelay $0x3  }
0x97: {  	_ =	strace s4  }
0x98: {  	_ =	strace $0x8FFFFFFF  }
0x99: {  	s19 =	sld [smem:$0x3FDB];
	_ =	sdelay $0x1  }
0x9a: {  	s5 =	simm.s32 $_scs_section_size  }
0x9b: {  	s6 =	simm.s32 $_size__tile_overlayer_lowered;
	s7 =	simm.s32 $_tile_overlayer_lowered  }
0x9c: {  	s22 =	simm.s32 $0x1BFF;
	s21 =	sshll.u32 s7, $0x1;
	s4 =	sadd.s32 s5, s19  }
0x9d: {  	s8 =	simm.s32 $0x0;
	s20 =	sshll.u32 s6, $0x1;
	s6 =	sadd.s32 s21, s4  }
0x9e: {  	[timem:s8], [sflag:s22] =	dma.local [hbm:s6], s20  }
0x9f: {  	_ =	swait.ge [sflag:s22], s20  }
0xa0: {  	s5 =	ssub.s32 $0x0, s20;
	[sflag:s22] =	ssyncset.done $0x0  }
0xa1: {  	[sflag:s22] =	ssyncadd.s32 s5;
	_ =	sdelay $0x1  }
0xa2: {  	s23 =	simm.s32 $0x1B8B  }
0xa3: {  	_ =	swait.ge [sflag:s23], $0x1  }
0xa4: {  	[sflag:s23] =	ssyncset.done $0x0  }
0xa5: {  	s25 =	simm.s32 $0x1B8E;
	s24 =	sld [smem:$0x3FFE];
	[sflag:s23] =	ssyncadd.s32 $0xFFFFFFFF  }
0xa6: {  	s26 =	simm.s32 $execute0_lowered;
	[smem:$0x3FD2] =	sst s25  }
0xa7: {  	s6 =	sshll.u32 s26, $0x1;
	_ =	strace $0x80000046;
	[dreg:$0x1] =	wrdreg $0xFFFFFFFF  }
0xa8: {  	s28 =	simm.s32 $_size_execute0_lowered;
	s4 =	sadd.s32 s4, s6;
	[dreg:$0x0] =	wrdreg $0x0  }
0xa9: {  	s6 =	sshll.u32 s28, $0x1;
	[dreg:$0x2] =	wrdreg s4  }
0xaa: {  	[dreg:$0x3] =	wrdreg s6  }
0xab: {  	[dreg:$0x4] =	wrdreg $0xC0  }
0xac: {  	_ =	task [dreg:s8], $0x5FFFF  }
0xad: {  	[dreg:$0x1] =	wrdreg $0xFFFFFFFF  }
0xae: {  	[dreg:$0x0] =	wrdreg $0x60  }
0xaf: {  	[dreg:$0x2] =	wrdreg s2  }
0xb0: {  	[dreg:$0x3] =	wrdreg s24  }
0xb1: {  	[dreg:$0x4] =	wrdreg s18  }
0xb2: {  	[dreg:$0x5] =	wrdreg $0x9  }
0xb3: {  	_ =	task.clear_ibuf [dreg:s8], $0x6FFFF;
	_ =	strace $0x90000046  }
0xb4: {  	s29 =	simm.s32 $0x9;
	_ =	strace $0x80000048  }
0xb5: {  	_ =	swait.ge [sflag:s29], $0x1  }
0xb6: {  	[sflag:s29] =	ssyncadd.s32 $0xFFFFFFFF  }
0xb7: {  	_ =	strace $0x90000048  }
0xb8: {  	_ =	sfence  }
0xb9: {  	s30 =	sld [smem:$0x0];
	_ =	sdelay $0x2  }
0xba: {  	s31 =	sshll.u32 s1, $0xD;
	s1 =	sshrl.u32 s1, $0x2  }
0xbb: {  	s3 =	sand.u32 $0x4000, s31;
	s1 =	sadd.s32 s1, s30  }
0xbc: {  	s0 =	sor.u32 s3, s0;
	s1 =	sshll.u32 s1, $0x11  }
0xbd: {  	s0 =	sor.u32 s1, s0  }
0xbe: {  	s0 =	sadd.s32 $0x8F2B, s0  }
0xbf: {  	[sflag:s0] =	ssyncadd.remote.s32 $0x1  }
0xc0: {  	_ =	sfence.sel $0xFFFF  }
0xc1: {  	[dreg:$0x0] =	wrdreg $0xFFFFFFFF;
	(pc) =	sbr.abs _section_cstart, $3  }
0xc2: {  	[dreg:$0x1] =	wrdreg $0xFFFFFFFF  }
0xc3: {  	_ =	task.clear_ibuf [dreg:s8], $0x2FFFF;
	_ =	strace $0x9FFFFFFF  }
0xc4: {  	(tm) =	ssettm $0x7FFFFFFF  }
0xc5: {  	_ =	shalt  }
tec
execute0_lowered:
.L_overlay_start_1:
0x0: {  	(tag) =	ssettag $0x1  }
0x1: {  	s0 =	rddreg [dreg:$0x0]  }
0x2: {  	s1 =	rddreg [dreg:$0x1]  }
0x3: {  	s2 =	rddreg [dreg:$0x2];
	s3 =	simm.s32 $0x0;
	s4 =	srdreg.scid  }
0x4: {  	s5 =	stileid.u32;
	s10 =	simm.s32 $0x5;
	s12 =	simm.s32 $0x8000  }
0x5: {  	s13 =	simm.s32 $0x80;
	s14 =	simm.s32 $0x6400;
	s15 =	simm.s32 $0x8400  }
0x6: {  	s16 =	simm.s32 $0x1;
	s17 =	simm.s32 $0x40;
	s18 =	simm.s32 $0x3200  }
0x7: {  	s19 =	simm.s32 $0xA400;
	s20 =	simm.s32 $0x2;
	s21 =	simm.s32 $0xC400  }
0x8: {  	s22 =	simm.s32 $0x3;
	s23 =	simm.s32 $0x4;
	s24 =	simm.s32 $0x0  }
.Ltmp0:
0x9: {  	[smem:$0x7FF] =	sst s3;
	s4 =	sand.u32 $0x1, s4;
	(pc) =	sbr.rel .LBB2_1-.Ltmp0, $4  }
0xa: {  	s5 =	sshll.u32 s5, $0x1;
	_ =	strace $0x80000047;
	s6 =	ssub.s32 $0x2, s4  }
0xb: {  	s7 =	sor.u32 s4, s5;
	s4 =	sadd.s32 $0xF42A00, s1;
	s8 =	sshrl.u32 s6, $0x1  }
0xc: {  	s5 =	sadd.s32 $0x600, s1;
	s9 =	sshll.u32 s7, $0x7;
	s31 =	ssub.s32 s6, s8  }
0xd: {  	s7 =	smul.u32 $0x190000, s7;
	s6 =	sadd.s32 s0, s9;
	s8 =	smax.u32 s31, $0x1  }
.LBB2_8:
0xe: {  	s24 =	sadd.s32 $0x1, s24  }
0xf: {  	_ =	swait.ge [sflag:s22], $0x2000;
	p0 =	sne.s32 s24, s8  }
.Ltmp1:
0x10: {  	[sflag:s22] =	ssyncset.done $0x0;
	(pc) =	sbr.rel @!p0 .LBB2_9-.Ltmp1, $4  }
0x11: {  	[sflag:s22] =	ssyncadd.s32 $0xFFFFE000  }
0x12: {  	_ =	swait.ge [sflag:s23], $0x2000  }
0x13: {  	[sflag:s23] =	ssyncset.done $0x0  }
0x14: {  	[sflag:s23] =	ssyncadd.s32 $0xFFFFE000  }
.LBB2_1:
0x15: {  	s0 =	simm.s32 $0xE400  }
0x16: {  	[tilespmem:s0], [sflag:$0x5] =	stream.linear.gather [hbm4b:s5+s3], $0x3200, $0x38;
	[tilespmem:$0x11600] =	vst v63  }
0x17: {  	_ =	swait.ge [sflag:s10], $0x3200  }
0x18: {  	[sflag:s10] =	ssyncset.done $0x0  }
0x19: {  	s31 =	simm.s32 $0x400;
	[sflag:s10] =	ssyncadd.s32 $0xFFFFCE00  }
0x1a: {  	[tilespmem:s3], [sflag:$0x5] =	stream.strided.gather [hbm4b:s6+s31], $0x6400, s12, s31, $0x38;
	[tilespmem:$0x11600] =	vst v63  }
0x1b: {  	_ =	swait.ge [sflag:s10], $0x6400  }
0x1c: {  	[sflag:s10] =	ssyncset.done $0x0  }
0x1d: {  	[sflag:s10] =	ssyncadd.s32 $0xFFFF9C00  }
0x1e: {  	[tilespmem:s14], [sflag:$0x1] =	stream.indirect.gather [hbm4b:s4+s13], $0x40, s3, s13, $0xb8;
	[tilespmem:$0x11600] =	vst v63  }
0x1f: {  	s25 =	simm.s32 $0x0  }
0x20: {  	[tilespmem:s15], [sflag:$0x2] =	stream.indirect.gather [hbm4b:s4+s13], $0x40, s13, s13, $0xb8;
	[tilespmem:$0x11600] =	vst v63  }
.LBB2_2:
0x21: {  	p0 =	seq.s32 s25, $0x0  }
0x22: {  	s0 =	simm.s32 @!p0 $0x3  }
0x23: {  	_ =	swait.ge @!p0 [sflag:s0], $0x2000  }
0x24: {  	[sflag:s0] =	ssyncset.done @!p0 $0x0  }
0x25: {  	[sflag:s0] =	ssyncadd.s32 @!p0 $0xFFFFE000  }
0x26: {  	_ =	swait.ge [sflag:s16], $0x2000  }
0x27: {  	[sflag:s16] =	ssyncset.done $0x0  }
0x28: {  	s26 =	simm.s32 $0x6480;
	[sflag:s16] =	ssyncadd.s32 $0xFFFFE000  }
0x29: {  	v0 =	vld [tilespmem:s26+$0x40]  }
0x2a: {  	s28 =	sshll.u32 s25, $0x7;
	v1 =	vld [tilespmem:s26+$0xFFFFFFC0]  }
0x2b: {  	v3 =	vld [tilespmem:s28+$0xE400];
	_ =	sdelay $0x1  }
0x2c: {  	v4 =	vld [tilespmem:s26+$0x0]  }
0x2d: {  	v5 =	vld [tilespmem:s26+$0xFFFFFF80];
	v0 =	vmul.f32 $8.000000000e+00, v0  }
0x2e: {  	v6 =	vmul.f32 $8.000000000e+00, v1  }
0x2f: {  	v2 =	vld [tilespmem:s28+$0xE410];
	v7 =	vadd.f32 v0, v3  }
0x30: {  	s29 =	simm.s32 $0xA480;
	v1 =	vld [tilespmem:s28+$0xE420];
	v6 =	vadd.f32 v6, v3  }
0x31: {  	v4 =	vmul.f32 $8.000000000e+00, v4;
	v0 =	vld [tilespmem:s28+$0xE430];
	[tilespmem:s29+$0x40] =	vst v7  }
0x32: {  	v5 =	vmul.f32 $8.000000000e+00, v5;
	[tilespmem:s29+$0xFFFFFFC0] =	vst v6;
	v6 =	vld [tilespmem:s26+$0x50]  }
0x33: {  	v4 =	vadd.f32 v4, v3;
	v7 =	vld [tilespmem:s26+$0xFFFFFFD0]  }
0x34: {  	v5 =	vadd.f32 v5, v3  }
0x35: {  	[tilespmem:s29+$0x0] =	vst v4  }
0x36: {  	[tilespmem:s29+$0xFFFFFF80] =	vst v5;
	v4 =	vld [tilespmem:s26+$0x10]  }
0x37: {  	s31 =	simm.s32 $0x6580;
	v5 =	vld [tilespmem:s26+$0xFFFFFF90];
	v6 =	vmul.f32 $8.000000000e+00, v6  }
0x38: {  	v8 =	vld [tilespmem:s31+$0x40];
	v7 =	vmul.f32 $8.000000000e+00, v7  }
0x39: {  	v9 =	vld [tilespmem:s31+$0xFFFFFFC0];
	v6 =	vadd.f32 v6, v2  }
0x3a: {  	v10 =	vld [tilespmem:s31+$0x0];
	v7 =	vadd.f32 v7, v2  }
0x3b: {  	v11 =	vld [tilespmem:s31+$0xFFFFFF80];
	v4 =	vmul.f32 $8.000000000e+00, v4;
	[tilespmem:s29+$0x50] =	vst v6  }
0x3c: {  	v5 =	vmul.f32 $8.000000000e+00, v5;
	[tilespmem:s29+$0xFFFFFFD0] =	vst v7;
	v6 =	vld [tilespmem:s26+$0x60]  }
0x3d: {  	v4 =	vadd.f32 v4, v2;
	v7 =	vmul.f32 $8.000000000e+00, v8;
	v8 =	vld [tilespmem:s26+$0xFFFFFFE0]  }
0x3e: {  	v9 =	vmul.f32 $8.000000000e+00, v9;
	v5 =	vadd.f32 v5, v2  }
0x3f: {  	[tilespmem:s29+$0x10] =	vst v4;
	v4 =	vmul.f32 $8.000000000e+00, v10;
	v7 =	vadd.f32 v7, v3  }
0x40: {  	s30 =	simm.s32 $0xA580;
	v9 =	vadd.f32 v9, v3;
	[tilespmem:s29+$0xFFFFFF90] =	vst v5;
	v10 =	vmul.f32 $8.000000000e+00, v11;
	v5 =	vld [tilespmem:s26+$0x20]  }
0x41: {  	v11 =	vld [tilespmem:s26+$0xFFFFFFA0];
	v4 =	vadd.f32 v4, v3;
	[tilespmem:s30+$0x40] =	vst v7;
	v6 =	vmul.f32 $8.000000000e+00, v6  }
0x42: {  	[tilespmem:s30+$0xFFFFFFC0] =	vst v9;
	v7 =	vadd.f32 v10, v3;
	v9 =	vld [tilespmem:s31+$0x50];
	v8 =	vmul.f32 $8.000000000e+00, v8  }
0x43: {  	v10 =	vld [tilespmem:s31+$0xFFFFFFD0];
	[tilespmem:s30+$0x0] =	vst v4;
	v4 =	vadd.f32 v6, v1  }
0x44: {  	[tilespmem:s30+$0xFFFFFF80] =	vst v7;
	v6 =	vld [tilespmem:s31+$0x10];
	v7 =	vadd.f32 v8, v1  }
0x45: {  	v5 =	vmul.f32 $8.000000000e+00, v5;
	v8 =	vld [tilespmem:s31+$0xFFFFFF90];
	[tilespmem:s29+$0x60] =	vst v4  }
0x46: {  	v4 =	vmul.f32 $8.000000000e+00, v11;
	[tilespmem:s29+$0xFFFFFFE0] =	vst v7;
	v7 =	vld [tilespmem:s26+$0x70]  }
0x47: {  	s0 =	simm.s32 $0x6680;
	v5 =	vadd.f32 v5, v1;
	v9 =	vmul.f32 $8.000000000e+00, v9;
	v11 =	vld [tilespmem:s26+$0xFFFFFFF0]  }
0x48: {  	v12 =	vld [tilespmem:s0+$0x40];
	v10 =	vmul.f32 $8.000000000e+00, v10;
	v4 =	vadd.f32 v4, v1  }
0x49: {  	[tilespmem:s29+$0x20] =	vst v5;
	v5 =	vld [tilespmem:s0+$0xFFFFFFC0];
	v9 =	vadd.f32 v9, v2;
	v6 =	vmul.f32 $8.000000000e+00, v6  }
0x4a: {  	v10 =	vadd.f32 v10, v2;
	v8 =	vmul.f32 $8.000000000e+00, v8;
	[tilespmem:s29+$0xFFFFFFA0] =	vst v4;
	v4 =	vld [tilespmem:s0+$0x0]  }
0x4b: {  	v13 =	vld [tilespmem:s0+$0xFFFFFF80];
	[tilespmem:s30+$0x50] =	vst v9;
	v6 =	vadd.f32 v6, v2;
	v7 =	vmul.f32 $8.000000000e+00, v7  }
0x4c: {  	[tilespmem:s30+$0xFFFFFFD0] =	vst v10;
	v8 =	vadd.f32 v8, v2;
	v9 =	vld [tilespmem:s31+$0x60];
	v10 =	vmul.f32 $8.000000000e+00, v11  }
0x4d: {  	v11 =	vmul.f32 $8.000000000e+00, v12;
	v12 =	vld [tilespmem:s31+$0xFFFFFFE0];
	[tilespmem:s30+$0x10] =	vst v6;
	v6 =	vadd.f32 v7, v0  }
0x4e: {  	v5 =	vmul.f32 $8.000000000e+00, v5;
	[tilespmem:s30+$0xFFFFFF90] =	vst v8;
	v7 =	vld [tilespmem:s31+$0x20];
	v8 =	vadd.f32 v10, v0  }
0x4f: {  	v10 =	vadd.f32 v11, v3;
	v11 =	vld [tilespmem:s31+$0xFFFFFFA0];
	v4 =	vmul.f32 $8.000000000e+00, v4;
	[tilespmem:s29+$0x70] =	vst v6  }
0x50: {  	s1 =	simm.s32 $0xA680;
	v5 =	vadd.f32 v5, v3;
	v6 =	vmul.f32 $8.000000000e+00, v13;
	v13 =	vld [tilespmem:s26+$0xFFFFFFB0];
	[tilespmem:s29+$0xFFFFFFF0] =	vst v8  }
0x51: {  	[tilespmem:s1+$0x40] =	vst v10;
	v8 =	vmul.f32 $8.000000000e+00, v9;
	v9 =	vld [tilespmem:s26+$0x30];
	v4 =	vadd.f32 v4, v3  }
0x52: {  	[tilespmem:s1+$0xFFFFFFC0] =	vst v5;
	v5 =	vld [tilespmem:s0+$0x50];
	v12 =	vmul.f32 $8.000000000e+00, v12;
	v10 =	vadd.f32 v6, v3  }
0x53: {  	v6 =	vld [tilespmem:s0+$0xFFFFFFD0];
	[tilespmem:s1+$0x0] =	vst v4;
	v4 =	vmul.f32 $8.000000000e+00, v7;
	v7 =	vadd.f32 v8, v1  }
0x54: {  	v11 =	vmul.f32 $8.000000000e+00, v11;
	v12 =	vadd.f32 v12, v1;
	[tilespmem:s1+$0xFFFFFF80] =	vst v10;
	v8 =	vld [tilespmem:s0+$0x10]  }
0x55: {  	v10 =	vld [tilespmem:s0+$0xFFFFFF90];
	v14 =	vadd.f32 v4, v1;
	[tilespmem:s30+$0x60] =	vst v7;
	v13 =	vmul.f32 $8.000000000e+00, v13  }
0x56: {  	v11 =	vadd.f32 v11, v1;
	[tilespmem:s30+$0xFFFFFFE0] =	vst v12;
	v7 =	vmul.f32 $8.000000000e+00, v9;
	v4 =	vld [tilespmem:s31+$0x70]  }
0x57: {  	s9 =	simm.s32 $0x8;
	s11 =	simm.s32 $0x6780;
	s26 =	sshll.u32 s25, $0x1;
	v12 =	vmul.f32 $8.000000000e+00, v5;
	v5 =	vld [tilespmem:s31+$0xFFFFFFF0];
	[tilespmem:s30+$0x20] =	vst v14;
	v9 =	vadd.f32 v13, v0  }
.LBB2_3:
0x58: {  	v13 =	vld [tilespmem:s11+$0x40];
	s9 =	sadd.s32 $0x4, s9;
	v6 =	vmul.f32 $8.000000000e+00, v6;
	[tilespmem:s30+$0xFFFFFFA0] =	vst v11;
	v7 =	vadd.f32 v7, v0  }
0x59: {  	v11 =	vld [tilespmem:s11+$0xFFFFFFC0];
	p0 =	slt.u32 s9, $0x7C;
	v8 =	vmul.f32 $8.000000000e+00, v8;
	v12 =	vadd.f32 v12, v2;
	[tilespmem:s29+$0xFFFFFFB0] =	vst v9  }
0x5a: {  	v9 =	vld [tilespmem:s11+$0x0];
	v10 =	vmul.f32 $8.000000000e+00, v10;
	v6 =	vadd.f32 v6, v2;
	[tilespmem:s29+$0x30] =	vst v7;
	s29 =	smov.u32 s30;
	s30 =	smov.u32 s1  }
0x5b: {  	v7 =	vld [tilespmem:s11+$0xFFFFFF80];
	v8 =	vadd.f32 v8, v2;
	[tilespmem:s1+$0x50] =	vst v12;
	v4 =	vmul.f32 $8.000000000e+00, v4  }
0x5c: {  	v10 =	vadd.f32 v10, v2;
	[tilespmem:s1+$0xFFFFFFD0] =	vst v6;
	v6 =	vld [tilespmem:s0+$0x60];
	v5 =	vmul.f32 $8.000000000e+00, v5  }
0x5d: {  	v12 =	vmul.f32 $8.000000000e+00, v13;
	v13 =	vld [tilespmem:s0+$0xFFFFFFE0];
	[tilespmem:s1+$0x10] =	vst v8;
	v4 =	vadd.f32 v4, v0  }
0x5e: {  	v8 =	vmul.f32 $8.000000000e+00, v11;
	[tilespmem:s1+$0xFFFFFF90] =	vst v10;
	v10 =	vld [tilespmem:s0+$0x20];
	v5 =	vadd.f32 v5, v0  }
0x5f: {  	v9 =	vmul.f32 $8.000000000e+00, v9;
	v11 =	vadd.f32 v12, v3;
	v12 =	vld [tilespmem:s0+$0xFFFFFFA0];
	[tilespmem:s29+$0x70] =	vst v4  }
0x60: {  	s1 =	sadd.s32 $0x100, s1;
	v4 =	vmul.f32 $8.000000000e+00, v7;
	v7 =	vadd.f32 v8, v3;
	v14 =	vld [tilespmem:s31+$0xFFFFFFB0];
	[tilespmem:s29+$0xFFFFFFF0] =	vst v5  }
0x61: {  	v5 =	vadd.f32 v9, v3;
	[tilespmem:s1+$0x40] =	vst v11;
	v8 =	vmul.f32 $8.000000000e+00, v6;
	v9 =	vld [tilespmem:s31+$0x30];
	s31 =	smov.u32 s0;
	s0 =	smov.u32 s11  }
0x62: {  	v4 =	vadd.f32 v4, v3;
	[tilespmem:s1+$0xFFFFFFC0] =	vst v7;
	v15 =	vld [tilespmem:s11+$0x50];
	v7 =	vmul.f32 $8.000000000e+00, v13  }
.Ltmp2:
0x63: {  	v6 =	vld [tilespmem:s11+$0xFFFFFFD0];
	[tilespmem:s1+$0x0] =	vst v5;
	v5 =	vmul.f32 $8.000000000e+00, v10;
	v11 =	vadd.f32 v8, v1;
	(pc) =	sbr.rel @p0 .LBB2_3-.Ltmp2, $4  }
0x64: {  	[tilespmem:s1+$0xFFFFFF80] =	vst v4;
	v8 =	vld [tilespmem:s11+$0x10];
	v4 =	vmul.f32 $8.000000000e+00, v12;
	v7 =	vadd.f32 v7, v1  }
0x65: {  	v10 =	vld [tilespmem:s11+$0xFFFFFF90];
	v13 =	vadd.f32 v5, v1;
	[tilespmem:s30+$0x60] =	vst v11;
	v14 =	vmul.f32 $8.000000000e+00, v14  }
0x66: {  	v11 =	vadd.f32 v4, v1;
	[tilespmem:s30+$0xFFFFFFE0] =	vst v7;
	v4 =	vld [tilespmem:s31+$0x70];
	v7 =	vmul.f32 $8.000000000e+00, v9  }
0x67: {  	s11 =	sadd.s32 $0x100, s11;
	v12 =	vmul.f32 $8.000000000e+00, v15;
	v5 =	vld [tilespmem:s31+$0xFFFFFFF0];
	[tilespmem:s30+$0x20] =	vst v13;
	v9 =	vadd.f32 v14, v0  }
0x68: {  	_ = 	snop  }
0x69: {  	v3 =	vmul.f32 $8.000000000e+00, v6  }
0x6a: {  	v6 =	vadd.f32 v12, v2;
	v10 =	vmul.f32 $8.000000000e+00, v10  }
0x6b: {  	v8 =	vmul.f32 $8.000000000e+00, v8;
	v3 =	vadd.f32 v3, v2  }
0x6c: {  	[tilespmem:s1+$0x50] =	vst v6;
	v6 =	vadd.f32 v10, v2  }
0x6d: {  	v2 =	vadd.f32 v8, v2;
	[tilespmem:s1+$0xFFFFFFD0] =	vst v3;
	v3 =	vld [tilespmem:s0+$0x60]  }
0x6e: {  	v8 =	vld [tilespmem:s0+$0xFFFFFFE0];
	[tilespmem:s1+$0xFFFFFF90] =	vst v6  }
0x6f: {  	[tilespmem:s1+$0x10] =	vst v2;
	v2 =	vld [tilespmem:s0+$0xFFFFFFA0]  }
0x70: {  	v6 =	vld [tilespmem:s0+$0x20];
	_ =	sdelay $0x1  }
0x71: {  	v3 =	vmul.f32 $8.000000000e+00, v3  }
0x72: {  	v8 =	vmul.f32 $8.000000000e+00, v8  }
0x73: {  	[tilespmem:s30+$0xFFFFFFA0] =	vst v11;
	v3 =	vadd.f32 v3, v1;
	v2 =	vmul.f32 $8.000000000e+00, v2  }
0x74: {  	v10 =	vld [tilespmem:s31+$0xFFFFFFB0];
	v6 =	vmul.f32 $8.000000000e+00, v6;
	v8 =	vadd.f32 v8, v1  }
0x75: {  	v11 =	vld [tilespmem:s31+$0x30];
	[tilespmem:s1+$0x60] =	vst v3;
	v2 =	vadd.f32 v2, v1  }
0x76: {  	v1 =	vadd.f32 v6, v1;
	[tilespmem:s1+$0xFFFFFFE0] =	vst v8;
	v3 =	vld [tilespmem:s0+$0x70]  }
0x77: {  	v4 =	vmul.f32 $8.000000000e+00, v4;
	v6 =	vld [tilespmem:s0+$0xFFFFFFF0];
	[tilespmem:s1+$0xFFFFFFA0] =	vst v2  }
0x78: {  	v5 =	vmul.f32 $8.000000000e+00, v5;
	v2 =	vadd.f32 v7, v0;
	[tilespmem:s1+$0x20] =	vst v1;
	v1 =	vld [tilespmem:s0+$0xFFFFFFB0]  }
0x79: {  	[tilespmem:s29+$0xFFFFFFB0] =	vst v9;
	v4 =	vadd.f32 v4, v0;
	v7 =	vmul.f32 $8.000000000e+00, v10;
	v8 =	vld [tilespmem:s0+$0x30]  }
0x7a: {  	[tilespmem:s29+$0x30] =	vst v2;
	v2 =	vadd.f32 v5, v0;
	v5 =	vmul.f32 $8.000000000e+00, v11  }
0x7b: {  	[tilespmem:s30+$0x70] =	vst v4;
	v4 =	vadd.f32 v7, v0;
	v3 =	vmul.f32 $8.000000000e+00, v3  }
0x7c: {  	[tilespmem:s30+$0xFFFFFFF0] =	vst v2;
	v2 =	vadd.f32 v5, v0;
	v5 =	vmul.f32 $8.000000000e+00, v6  }
0x7d: {  	[tilespmem:s30+$0xFFFFFFB0] =	vst v4;
	v3 =	vadd.f32 v3, v0;
	v1 =	vmul.f32 $8.000000000e+00, v1  }
0x7e: {  	[tilespmem:s30+$0x30] =	vst v2;
	v2 =	vadd.f32 v5, v0;
	v4 =	vmul.f32 $8.000000000e+00, v8  }
0x7f: {  	[tilespmem:s1+$0x70] =	vst v3;
	v1 =	vadd.f32 v1, v0  }
0x80: {  	s9 =	sor.u32 s7, s28;
	[tilespmem:s1+$0xFFFFFFF0] =	vst v2;
	v0 =	vadd.f32 v4, v0  }
0x81: {  	s0 =	sshrl.u32 s9, $0x3;
	[tilespmem:s1+$0xFFFFFFB0] =	vst v1  }
0x82: {  	p0 =	seq.s32 s25, $0x63;
	s0 =	sadd.s32 s2, s0;
	[tilespmem:s1+$0x30] =	vst v0  }
0x83: {  	[hbm4b:s0+s17] =	stream.strided.scatter [tilespmem:s19], [sflag:$0x3], $0x2000, s18, s17, $0x38;
	[tilespmem:$0x11600] =	vst v63  }
0x84: {  	p1 =	seq.s32 @!p0 s25, $0x0;
	s0 =	sshll.u32 @!p0 s26, $0x7  }
0x85: {  	p1 =	por p0, !p1;
	s0 =	sadd.s32 @!p0 $0x100, s0  }
0x86: {  	s9 =	simm.s32 @!p0 $0x6400;
	s1 =	simm.s32 @!p0 $0x80;
	s0 =	sand.u32 @!p0 $0xFF00, s0  }
0x87: {  	[tilespmem:s9], [sflag:$0x1] =	stream.indirect.gather @!p0 [hbm4b:s4+s1], $0x40, s0, s1, $0xb8;
	[tilespmem:$0x11600] =	vst v63  }
0x88: {  	_ =	swait.ge @p1 [sflag:s23], $0x2000  }
0x89: {  	[sflag:s23] =	ssyncset.done @p1 $0x0  }
0x8a: {  	[sflag:s23] =	ssyncadd.s32 @p1 $0xFFFFE000  }
0x8b: {  	_ =	swait.ge [sflag:s20], $0x2000  }
0x8c: {  	[sflag:s20] =	ssyncset.done $0x0  }
0x8d: {  	s11 =	simm.s32 $0x8480;
	[sflag:s20] =	ssyncadd.s32 $0xFFFFE000  }
0x8e: {  	v0 =	vld [tilespmem:s11+$0x40]  }
0x8f: {  	v1 =	vld [tilespmem:s11+$0xFFFFFFC0]  }
0x90: {  	v3 =	vld [tilespmem:s28+$0xE440];
	_ =	sdelay $0x1  }
0x91: {  	v4 =	vld [tilespmem:s11+$0x0]  }
0x92: {  	v5 =	vld [tilespmem:s11+$0xFFFFFF80];
	v0 =	vmul.f32 $8.000000000e+00, v0  }
0x93: {  	v6 =	vmul.f32 $8.000000000e+00, v1  }
0x94: {  	v2 =	vld [tilespmem:s28+$0xE450];
	v7 =	vadd.f32 v0, v3  }
0x95: {  	s29 =	simm.s32 $0xC480;
	v1 =	vld [tilespmem:s28+$0xE460];
	v6 =	vadd.f32 v6, v3  }
0x96: {  	v4 =	vmul.f32 $8.000000000e+00, v4;
	v0 =	vld [tilespmem:s28+$0xE470];
	[tilespmem:s29+$0x40] =	vst v7  }
0x97: {  	v5 =	vmul.f32 $8.000000000e+00, v5;
	[tilespmem:s29+$0xFFFFFFC0] =	vst v6;
	v6 =	vld [tilespmem:s11+$0x50]  }
0x98: {  	v4 =	vadd.f32 v4, v3;
	v7 =	vld [tilespmem:s11+$0xFFFFFFD0]  }
0x99: {  	v5 =	vadd.f32 v5, v3  }
0x9a: {  	[tilespmem:s29+$0x0] =	vst v4  }
0x9b: {  	[tilespmem:s29+$0xFFFFFF80] =	vst v5;
	v4 =	vld [tilespmem:s11+$0x10]  }
0x9c: {  	s31 =	simm.s32 $0x8580;
	v5 =	vld [tilespmem:s11+$0xFFFFFF90];
	v6 =	vmul.f32 $8.000000000e+00, v6  }
0x9d: {  	v8 =	vld [tilespmem:s31+$0x40];
	v7 =	vmul.f32 $8.000000000e+00, v7  }
0x9e: {  	v9 =	vld [tilespmem:s31+$0xFFFFFFC0];
	v6 =	vadd.f32 v6, v2  }
0x9f: {  	v10 =	vld [tilespmem:s31+$0x0];
	v7 =	vadd.f32 v7, v2  }
0xa0: {  	v11 =	vld [tilespmem:s31+$0xFFFFFF80];
	v4 =	vmul.f32 $8.000000000e+00, v4;
	[tilespmem:s29+$0x50] =	vst v6  }
0xa1: {  	v5 =	vmul.f32 $8.000000000e+00, v5;
	[tilespmem:s29+$0xFFFFFFD0] =	vst v7;
	v6 =	vld [tilespmem:s11+$0x60]  }
0xa2: {  	v4 =	vadd.f32 v4, v2;
	v7 =	vmul.f32 $8.000000000e+00, v8;
	v8 =	vld [tilespmem:s11+$0xFFFFFFE0]  }
0xa3: {  	v9 =	vmul.f32 $8.000000000e+00, v9;
	v5 =	vadd.f32 v5, v2  }
0xa4: {  	[tilespmem:s29+$0x10] =	vst v4;
	v4 =	vmul.f32 $8.000000000e+00, v10;
	v7 =	vadd.f32 v7, v3  }
0xa5: {  	s30 =	simm.s32 $0xC580;
	v9 =	vadd.f32 v9, v3;
	[tilespmem:s29+$0xFFFFFF90] =	vst v5;
	v10 =	vmul.f32 $8.000000000e+00, v11;
	v5 =	vld [tilespmem:s11+$0x20]  }
0xa6: {  	v11 =	vld [tilespmem:s11+$0xFFFFFFA0];
	v4 =	vadd.f32 v4, v3;
	[tilespmem:s30+$0x40] =	vst v7;
	v6 =	vmul.f32 $8.000000000e+00, v6  }
0xa7: {  	[tilespmem:s30+$0xFFFFFFC0] =	vst v9;
	v7 =	vadd.f32 v10, v3;
	v9 =	vld [tilespmem:s31+$0x50];
	v8 =	vmul.f32 $8.000000000e+00, v8  }
0xa8: {  	v10 =	vld [tilespmem:s31+$0xFFFFFFD0];
	[tilespmem:s30+$0x0] =	vst v4;
	v4 =	vadd.f32 v6, v1  }
0xa9: {  	[tilespmem:s30+$0xFFFFFF80] =	vst v7;
	v6 =	vld [tilespmem:s31+$0x10];
	v7 =	vadd.f32 v8, v1  }
0xaa: {  	v5 =	vmul.f32 $8.000000000e+00, v5;
	v8 =	vld [tilespmem:s31+$0xFFFFFF90];
	[tilespmem:s29+$0x60] =	vst v4  }
0xab: {  	v4 =	vmul.f32 $8.000000000e+00, v11;
	[tilespmem:s29+$0xFFFFFFE0] =	vst v7;
	v7 =	vld [tilespmem:s11+$0x70]  }
0xac: {  	s0 =	simm.s32 $0x8680;
	v5 =	vadd.f32 v5, v1;
	v9 =	vmul.f32 $8.000000000e+00, v9;
	v11 =	vld [tilespmem:s11+$0xFFFFFFF0]  }
0xad: {  	v12 =	vld [tilespmem:s0+$0x40];
	v10 =	vmul.f32 $8.000000000e+00, v10;
	v4 =	vadd.f32 v4, v1  }
0xae: {  	[tilespmem:s29+$0x20] =	vst v5;
	v5 =	vld [tilespmem:s0+$0xFFFFFFC0];
	v9 =	vadd.f32 v9, v2;
	v6 =	vmul.f32 $8.000000000e+00, v6  }
0xaf: {  	v10 =	vadd.f32 v10, v2;
	v8 =	vmul.f32 $8.000000000e+00, v8;
	[tilespmem:s29+$0xFFFFFFA0] =	vst v4;
	v4 =	vld [tilespmem:s0+$0x0]  }
0xb0: {  	v13 =	vld [tilespmem:s0+$0xFFFFFF80];
	[tilespmem:s30+$0x50] =	vst v9;
	v6 =	vadd.f32 v6, v2;
	v7 =	vmul.f32 $8.000000000e+00, v7  }
0xb1: {  	[tilespmem:s30+$0xFFFFFFD0] =	vst v10;
	v8 =	vadd.f32 v8, v2;
	v9 =	vld [tilespmem:s31+$0x60];
	v10 =	vmul.f32 $8.000000000e+00, v11  }
0xb2: {  	v11 =	vmul.f32 $8.000000000e+00, v12;
	v12 =	vld [tilespmem:s31+$0xFFFFFFE0];
	[tilespmem:s30+$0x10] =	vst v6;
	v6 =	vadd.f32 v7, v0  }
0xb3: {  	v5 =	vmul.f32 $8.000000000e+00, v5;
	[tilespmem:s30+$0xFFFFFF90] =	vst v8;
	v7 =	vld [tilespmem:s31+$0x20];
	v8 =	vadd.f32 v10, v0  }
0xb4: {  	v10 =	vadd.f32 v11, v3;
	v11 =	vld [tilespmem:s31+$0xFFFFFFA0];
	v4 =	vmul.f32 $8.000000000e+00, v4;
	[tilespmem:s29+$0x70] =	vst v6  }
0xb5: {  	s1 =	simm.s32 $0xC680;
	v5 =	vadd.f32 v5, v3;
	v6 =	vmul.f32 $8.000000000e+00, v13;
	v13 =	vld [tilespmem:s11+$0xFFFFFFB0];
	[tilespmem:s29+$0xFFFFFFF0] =	vst v8  }
0xb6: {  	[tilespmem:s1+$0x40] =	vst v10;
	v8 =	vmul.f32 $8.000000000e+00, v9;
	v9 =	vld [tilespmem:s11+$0x30];
	v4 =	vadd.f32 v4, v3  }
0xb7: {  	[tilespmem:s1+$0xFFFFFFC0] =	vst v5;
	v5 =	vld [tilespmem:s0+$0x50];
	v12 =	vmul.f32 $8.000000000e+00, v12;
	v10 =	vadd.f32 v6, v3  }
0xb8: {  	v6 =	vld [tilespmem:s0+$0xFFFFFFD0];
	[tilespmem:s1+$0x0] =	vst v4;
	v4 =	vmul.f32 $8.000000000e+00, v7;
	v7 =	vadd.f32 v8, v1  }
0xb9: {  	v11 =	vmul.f32 $8.000000000e+00, v11;
	v12 =	vadd.f32 v12, v1;
	[tilespmem:s1+$0xFFFFFF80] =	vst v10;
	v8 =	vld [tilespmem:s0+$0x10]  }
0xba: {  	v10 =	vld [tilespmem:s0+$0xFFFFFF90];
	v14 =	vadd.f32 v4, v1;
	[tilespmem:s30+$0x60] =	vst v7;
	v13 =	vmul.f32 $8.000000000e+00, v13  }
0xbb: {  	v11 =	vadd.f32 v11, v1;
	[tilespmem:s30+$0xFFFFFFE0] =	vst v12;
	v7 =	vmul.f32 $8.000000000e+00, v9;
	v4 =	vld [tilespmem:s31+$0x70]  }
0xbc: {  	s9 =	simm.s32 $0x8;
	s28 =	sor.u32 $0x40, s28;
	s11 =	simm.s32 $0x8780;
	v12 =	vmul.f32 $8.000000000e+00, v5;
	v5 =	vld [tilespmem:s31+$0xFFFFFFF0];
	[tilespmem:s30+$0x20] =	vst v14;
	v9 =	vadd.f32 v13, v0  }
.LBB2_5:
0xbd: {  	v13 =	vld [tilespmem:s11+$0x40];
	s9 =	sadd.s32 $0x4, s9;
	v6 =	vmul.f32 $8.000000000e+00, v6;
	[tilespmem:s30+$0xFFFFFFA0] =	vst v11;
	v7 =	vadd.f32 v7, v0  }
0xbe: {  	v11 =	vld [tilespmem:s11+$0xFFFFFFC0];
	p1 =	slt.u32 s9, $0x7C;
	v8 =	vmul.f32 $8.000000000e+00, v8;
	v12 =	vadd.f32 v12, v2;
	[tilespmem:s29+$0xFFFFFFB0] =	vst v9  }
0xbf: {  	v9 =	vld [tilespmem:s11+$0x0];
	v10 =	vmul.f32 $8.000000000e+00, v10;
	v6 =	vadd.f32 v6, v2;
	[tilespmem:s29+$0x30] =	vst v7;
	s29 =	smov.u32 s30;
	s30 =	smov.u32 s1  }
0xc0: {  	v7 =	vld [tilespmem:s11+$0xFFFFFF80];
	v8 =	vadd.f32 v8, v2;
	[tilespmem:s1+$0x50] =	vst v12;
	v4 =	vmul.f32 $8.000000000e+00, v4  }
0xc1: {  	v10 =	vadd.f32 v10, v2;
	[tilespmem:s1+$0xFFFFFFD0] =	vst v6;
	v6 =	vld [tilespmem:s0+$0x60];
	v5 =	vmul.f32 $8.000000000e+00, v5  }
0xc2: {  	v12 =	vmul.f32 $8.000000000e+00, v13;
	v13 =	vld [tilespmem:s0+$0xFFFFFFE0];
	[tilespmem:s1+$0x10] =	vst v8;
	v4 =	vadd.f32 v4, v0  }
0xc3: {  	v8 =	vmul.f32 $8.000000000e+00, v11;
	[tilespmem:s1+$0xFFFFFF90] =	vst v10;
	v10 =	vld [tilespmem:s0+$0x20];
	v5 =	vadd.f32 v5, v0  }
0xc4: {  	v9 =	vmul.f32 $8.000000000e+00, v9;
	v11 =	vadd.f32 v12, v3;
	v12 =	vld [tilespmem:s0+$0xFFFFFFA0];
	[tilespmem:s29+$0x70] =	vst v4  }
0xc5: {  	s1 =	sadd.s32 $0x100, s1;
	v4 =	vmul.f32 $8.000000000e+00, v7;
	v7 =	vadd.f32 v8, v3;
	v14 =	vld [tilespmem:s31+$0xFFFFFFB0];
	[tilespmem:s29+$0xFFFFFFF0] =	vst v5  }
0xc6: {  	v5 =	vadd.f32 v9, v3;
	[tilespmem:s1+$0x40] =	vst v11;
	v8 =	vmul.f32 $8.000000000e+00, v6;
	v9 =	vld [tilespmem:s31+$0x30];
	s31 =	smov.u32 s0;
	s0 =	smov.u32 s11  }
0xc7: {  	v4 =	vadd.f32 v4, v3;
	[tilespmem:s1+$0xFFFFFFC0] =	vst v7;
	v15 =	vld [tilespmem:s11+$0x50];
	v7 =	vmul.f32 $8.000000000e+00, v13  }
.Ltmp3:
0xc8: {  	v6 =	vld [tilespmem:s11+$0xFFFFFFD0];
	[tilespmem:s1+$0x0] =	vst v5;
	v5 =	vmul.f32 $8.000000000e+00, v10;
	v11 =	vadd.f32 v8, v1;
	(pc) =	sbr.rel @p1 .LBB2_5-.Ltmp3, $4  }
0xc9: {  	[tilespmem:s1+$0xFFFFFF80] =	vst v4;
	v8 =	vld [tilespmem:s11+$0x10];
	v4 =	vmul.f32 $8.000000000e+00, v12;
	v7 =	vadd.f32 v7, v1  }
0xca: {  	v10 =	vld [tilespmem:s11+$0xFFFFFF90];
	v13 =	vadd.f32 v5, v1;
	[tilespmem:s30+$0x60] =	vst v11;
	v14 =	vmul.f32 $8.000000000e+00, v14  }
0xcb: {  	v11 =	vadd.f32 v4, v1;
	[tilespmem:s30+$0xFFFFFFE0] =	vst v7;
	v4 =	vld [tilespmem:s31+$0x70];
	v7 =	vmul.f32 $8.000000000e+00, v9  }
0xcc: {  	s11 =	sadd.s32 $0x100, s11;
	v12 =	vmul.f32 $8.000000000e+00, v15;
	v5 =	vld [tilespmem:s31+$0xFFFFFFF0];
	[tilespmem:s30+$0x20] =	vst v13;
	v9 =	vadd.f32 v14, v0  }
0xcd: {  	v3 =	vmul.f32 $8.000000000e+00, v6  }
0xce: {  	v41 =	vadd.f32 v12, v2;
	v8 =	vmul.f32 $8.000000000e+00, v8  }
0xcf: {  	v10 =	vmul.f32 $8.000000000e+00, v10;
	v3 =	vadd.f32 v3, v2  }
0xd0: {  	[tilespmem:s1+$0x50] =	vst v41;
	v43 =	vadd.f32 v8, v2  }
0xd1: {  	v42 =	vadd.f32 v10, v2;
	[tilespmem:s1+$0xFFFFFFD0] =	vst v3;
	v44 =	vld [tilespmem:s0+$0x60]  }
0xd2: {  	v45 =	vld [tilespmem:s0+$0xFFFFFFE0];
	[tilespmem:s1+$0x10] =	vst v43  }
0xd3: {  	[tilespmem:s1+$0xFFFFFF90] =	vst v42;
	v47 =	vld [tilespmem:s0+$0x20]  }
0xd4: {  	v46 =	vld [tilespmem:s0+$0xFFFFFFA0];
	_ =	sdelay $0x1  }
0xd5: {  	v3 =	vmul.f32 $8.000000000e+00, v44  }
0xd6: {  	v8 =	vmul.f32 $8.000000000e+00, v45  }
0xd7: {  	v3 =	vadd.f32 v3, v1;
	v6 =	vmul.f32 $8.000000000e+00, v47  }
0xd8: {  	[tilespmem:s30+$0xFFFFFFA0] =	vst v11;
	v49 =	vld [tilespmem:s31+$0x30];
	v2 =	vmul.f32 $8.000000000e+00, v46;
	v8 =	vadd.f32 v8, v1  }
0xd9: {  	v48 =	vld [tilespmem:s31+$0xFFFFFFB0];
	[tilespmem:s1+$0x60] =	vst v3;
	v50 =	vadd.f32 v6, v1  }
0xda: {  	v2 =	vadd.f32 v2, v1;
	[tilespmem:s1+$0xFFFFFFE0] =	vst v8;
	v3 =	vld [tilespmem:s0+$0x70]  }
0xdb: {  	v4 =	vmul.f32 $8.000000000e+00, v4;
	v51 =	vld [tilespmem:s0+$0xFFFFFFF0];
	[tilespmem:s1+$0x20] =	vst v50  }
0xdc: {  	v52 =	vadd.f32 v7, v0;
	v5 =	vmul.f32 $8.000000000e+00, v5;
	[tilespmem:s1+$0xFFFFFFA0] =	vst v2;
	v55 =	vld [tilespmem:s0+$0x30]  }
0xdd: {  	[tilespmem:s29+$0xFFFFFFB0] =	vst v9;
	v4 =	vadd.f32 v4, v0;
	v57 =	vmul.f32 $8.000000000e+00, v49;
	v53 =	vld [tilespmem:s0+$0xFFFFFFB0]  }
0xde: {  	[tilespmem:s29+$0x30] =	vst v52;
	v54 =	vmul.f32 $8.000000000e+00, v48;
	v56 =	vadd.f32 v5, v0  }
0xdf: {  	[tilespmem:s30+$0x70] =	vst v4;
	v59 =	vadd.f32 v57, v0;
	v3 =	vmul.f32 $8.000000000e+00, v3  }
0xe0: {  	v58 =	vadd.f32 v54, v0;
	[tilespmem:s30+$0xFFFFFFF0] =	vst v56;
	v60 =	vmul.f32 $8.000000000e+00, v51  }
0xe1: {  	[tilespmem:s30+$0x30] =	vst v59;
	v3 =	vadd.f32 v3, v0;
	v62 =	vmul.f32 $8.000000000e+00, v55  }
0xe2: {  	[tilespmem:s30+$0xFFFFFFB0] =	vst v58;
	v1 =	vmul.f32 $8.000000000e+00, v53;
	v61 =	vadd.f32 v60, v0  }
.Ltmp4:
0xe3: {  	[tilespmem:s1+$0x70] =	vst v3;
	v63 =	vadd.f32 v62, v0;
	(pc) =	sbr.rel @p0 .LBB2_8-.Ltmp4, $4  }
0xe4: {  	s31 =	sor.u32 s7, s28;
	v1 =	vadd.f32 v1, v0;
	[tilespmem:s1+$0xFFFFFFF0] =	vst v61  }
0xe5: {  	s0 =	sshrl.u32 s31, $0x3;
	[tilespmem:s1+$0x30] =	vst v63  }
0xe6: {  	s0 =	sadd.s32 s2, s0;
	[tilespmem:s1+$0xFFFFFFB0] =	vst v1  }
0xe7: {  	[hbm4b:s0+s17] =	stream.strided.scatter [tilespmem:s21], [sflag:$0x4], $0x2000, s18, s17, $0x38;
	[tilespmem:$0x11600] =	vst v63  }
.Ltmp5:
0xe8: {  	(pc) =	sbr.rel .LBB2_2-.Ltmp5, $4  }
0xe9: {  	s0 =	sshll.u32 s26, $0x7  }
0xea: {  	s0 =	sadd.s32 $0x180, s0  }
0xeb: {  	s25 =	sadd.s32 $0x1, s25;
	s0 =	sand.u32 $0xFF80, s0  }
0xec: {  	[tilespmem:s15], [sflag:$0x2] =	stream.indirect.gather [hbm4b:s4+s13], $0x40, s0, s13, $0xb8;
	[tilespmem:$0x11600] =	vst v63  }
.LBB2_9:
0xed: {  	_ =	sfence.sel $0x180000  }
0xee: {  	[bflag:$0x0] =	sbarrier.arrive $0xFFFF  }
0xef: {  	_ =	strace $0x90000047  }
0xf0: {  	s0 =	stileid.u32;
	[bflag:$0x2] =	sbarrier.arrive $0xFFFF  }
0xf1: {  	p0 =	sne.s32 s0, $0x0;
	s0 =	rddreg [dreg:$0x3]  }
0xf2: {  	s0 =	sadd.s32 @!p0 $0x100000, s0  }
0xf3: {  	[sflag:s0] =	ssyncadd.tile.s32 @!p0 $0x1;
	_ =	shalt  }
.Lfunc_end2:
_tile_overlayer_lowered:
.L_overlay_start_2:
0xf4: {  	(tag) =	ssettag $0x2  }
0xf5: {  	s0 =	rddreg [dreg:$0x0];
	s2 =	stileid.u32  }
0xf6: {  	s1 =	rddreg [dreg:$0x1];
	p0 =	sne.s32 s2, $0x0  }
0xf7: {  	s3 =	rddreg [dreg:$0x2];
	[bflag:$0x3] =	sbarrier.arrive $0xFFFF;
	s2 =	simm.s32 @!p0 $0x1C05  }
0xf8: {  	[timem:s3], [sflag:s2] =	dma.local @!p0 [hbm:s0], s1  }
0xf9: {  	s0 =	simm.s32 @!p0 $0x5  }
0xfa: {  	_ =	swait.ge @!p0 [sflag:s0], s1  }
0xfb: {  	s1 =	ssub.s32 @!p0 $0x0, s1;
	[sflag:s0] =	ssyncset.done @!p0 $0x0  }
0xfc: {  	[sflag:s0] =	ssyncadd.s32 @!p0 s1  }
0xfd: {  	[bflag:$0x3] =	sbarrier.arrive $0xFFFF  }
0xfe: {  	_ =	shalt  }

</sc_bundles>
